<compile_context>
chip_gen: v7x
topology: tpu7x:2x2x1
jax: 0.10.2.dev20260603
libtpu: 0.0.44.dev20260713+nightly
codegen_flags: <defaults>
</compile_context>

<pallas_src>
import functools

import jax
import jax.numpy as jnp
from jax import lax
from jax.experimental import pallas as pl
from jax.experimental.pallas import tpu as pltpu
from jax.experimental.pallas import tpu_sc as plsc

VOCAB = 100000
N_EMBD = 64
BATCH = 16384

NUM_CORES = 2
NUM_SUBCORES = 16
NUM_WORKERS = NUM_CORES * NUM_SUBCORES
B_PER_W = BATCH // NUM_WORKERS
N_GROUPS = B_PER_W // 16

_mesh = plsc.VectorSubcoreMesh(core_axis_name="c", subcore_axis_name="s")


@functools.partial(
    pl.kernel,
    mesh=_mesh,
    out_type=jax.ShapeDtypeStruct((BATCH, N_EMBD), jnp.float32),
    scratch_types=[
        pltpu.VMEM((B_PER_W,), jnp.int32),
        pltpu.VMEM((B_PER_W, N_EMBD), jnp.float32),
        pltpu.SemaphoreType.DMA,
    ],
    compiler_params=pltpu.CompilerParams(
        skip_device_barrier=True,
        disable_bounds_checks=True,
        disable_semaphore_checks=True,
    ),
)
def _gather(table_hbm, idx_hbm, out_hbm, idx_v, rows_v, sem):
    wid = lax.axis_index("s") * NUM_CORES + lax.axis_index("c")
    base = wid * B_PER_W
    pltpu.sync_copy(idx_hbm.at[pl.ds(base, B_PER_W)], idx_v)

    def body(g, _):
        v16 = idx_v[pl.ds(g * 16, 16)]
        for l in range(16):
            r = v16[l]
            pltpu.async_copy(
                table_hbm.at[pl.ds(r, 1)],
                rows_v.at[pl.ds(g * 16 + l, 1)],
                sem,
            )
        return ()

    lax.fori_loop(0, N_GROUPS, body, (), unroll=4)
    pltpu.make_async_copy(
        table_hbm.at[pl.ds(0, B_PER_W)], rows_v, sem
    ).wait()
    pltpu.sync_copy(rows_v, out_hbm.at[pl.ds(base, B_PER_W)])


def kernel(x, embed_weight):
    return _gather(embed_weight, x)

# --- scband reference (transcript-rebuilt; emitter-appended) ---
"""Pipeline reference for scband-action-tokenizer-35296041238658 (READ-ONLY COPY).

The authoritative reference and input builder live on the scoring server;
editing this copy changes nothing except your own understanding.
"""

import jax, jax.numpy as jnp
import numpy as np

VOCAB = 100000
N_EMBD = 64
BATCH = 16384

def setup_inputs(seed: int = 0) -> dict:
    key = jax.random.key(seed)
    k_idx, k_tab = jax.random.split(key)
    x = jax.random.randint(k_idx, (BATCH,), 0, VOCAB, dtype=jnp.int32)
    # nn.Embedding default init: N(0, 1)
    embed_weight = jax.random.normal(k_tab, (VOCAB, N_EMBD), dtype=jnp.float32)
    return {"x": x, "embed_weight": embed_weight}

def reference(x, embed_weight):
    # discrete path: flatten indices then embedding lookup
    idx = x.reshape(-1)
    return jnp.take(embed_weight, idx, axis=0)

if __name__ == "__main__":
    import jax
    _d = setup_inputs()
    print(jax.jit(kernel)(*tuple(_d.values())))

</pallas_src>

<mosaic_0001>
#map = affine_map<(d0, d1) -> (0, 0)>
#map1 = affine_map<(d0, d1) -> (0)>
module attributes {stable_mosaic.version = 14 : i64} {
  func.func @_gather(%arg0: i32, %arg1: i32, %arg2: memref<100000x64xf32, #tpu.memory_space<hbm>>, %arg3: memref<16384xi32, #tpu.memory_space<hbm>>, %arg4: memref<16384x64xf32, #tpu.memory_space<hbm>>, %arg5: memref<512xi32, #tpu.memory_space<vmem>>, %arg6: memref<512x64xf32, #tpu.memory_space<vmem>>, %arg7: memref<!tpu.dma_semaphore, #tpu.memory_space<semaphore_mem>>) attributes {dimension_semantics = [#tpu.dimension_semantics<core_parallel>, #tpu.dimension_semantics<subcore_parallel>], iteration_bounds = array<i64: 2, 16>, scalar_prefetch = 0 : i64, scratch_operands = 3 : i64, tpu.core_type = #tpu.core_type<sc_vector_subcore>, window_params = [{transform_indices = #map}, {transform_indices = #map1}, {transform_indices = #map}]} {
    %mul3A = arith.constant 2 : i32
    %mul3A_0 = arith.muli %arg1, %mul3A : i32
    %add3A = arith.addi %mul3A_0, %arg0 : i32
    %mul3A_1 = arith.constant 512 : i32
    %mul3A_2 = arith.muli %add3A, %mul3A_1 : i32
    "tpu.region"() ({
      %run_scoped3A = tpu.sem_alloc : memref<!tpu.dma_semaphore, #tpu.memory_space<semaphore_mem>>
      %dma_start3A = tpu.memref_slice %arg3[%mul3A_2] : memref<16384xi32, #tpu.memory_space<hbm>> -> memref<512xi32, #tpu.memory_space<hbm>>
      %dma_start3A_12 = tpu.memref_slice %arg3[%mul3A_2] : memref<16384xi32, #tpu.memory_space<hbm>> -> memref<512xi32, #tpu.memory_space<hbm>>
      tpu.enqueue_dma source(%dma_start3A_12 : memref<512xi32, #tpu.memory_space<hbm>>) target(%arg5 : memref<512xi32, #tpu.memory_space<vmem>>) target_semaphore(%run_scoped3A : memref<!tpu.dma_semaphore, #tpu.memory_space<semaphore_mem>>)
      %dma_wait3A_13 = tpu.memref_slice %arg3[%mul3A_2] : memref<16384xi32, #tpu.memory_space<hbm>> -> memref<512xi32, #tpu.memory_space<hbm>>
      %dma_wait3A_14 = tpu.memref_slice %arg3[%mul3A_2] : memref<16384xi32, #tpu.memory_space<hbm>> -> memref<512xi32, #tpu.memory_space<hbm>>
      tpu.wait_dma2 semaphore(%run_scoped3A : memref<!tpu.dma_semaphore, #tpu.memory_space<semaphore_mem>>) src(%dma_wait3A_14 : memref<512xi32, #tpu.memory_space<hbm>>) dst(%arg5 : memref<512xi32, #tpu.memory_space<vmem>>)
      tpu.yield
    }) : () -> ()
    %scan3A = arith.constant 0 : i32
    %scan3A_3 = arith.constant 32 : i32
    %scan3A_4 = arith.addi %scan3A, %scan3A_3 : i32
    %scan3A_5 = arith.constant 4 : i32
    scf.for %scan3A_12 = %scan3A to %scan3A_4 step %scan3A_5  : i32 {
      %mul3A_13 = arith.constant 16 : i32
      %mul3A_14 = arith.muli %scan3A_12, %mul3A_13 : i32
      %get3A = arith.index_cast %mul3A_14 : i32 to index
      %get3A_15 = tpu.vector_load %arg5[%get3A] {strides = array<i32>} : memref<512xi32, #tpu.memory_space<vmem>>, vector<16xi32>,
      %get3A_16 = vector.shape_cast %get3A_15 : vector<16xi32> to vector<16xi32>
      %slice3A = vector.extract_strided_slice %get3A_16 {offsets = [0], sizes = [1], strides = [1]} : vector<16xi32> to vector<1xi32>
      %squeeze3A = vector.extract %slice3A[0] : i32 from vector<1xi32>
      %mul3A_17 = arith.constant 16 : i32
      %mul3A_18 = arith.muli %scan3A_12, %mul3A_17 : i32
      %add3A_19 = arith.constant 0 : i32
      %add3A_20 = arith.addi %mul3A_18, %add3A_19 : i32
      %dma_start3A = arith.constant 0 : i32
      %dma_start3A_21 = tpu.memref_slice %arg6[%add3A_20, %dma_start3A] : memref<512x64xf32, #tpu.memory_space<vmem>> -> memref<1x64xf32, #tpu.memory_space<vmem>>
      %dma_start3A_22 = arith.constant 0 : i32
      %dma_start3A_23 = tpu.memref_slice %arg2[%squeeze3A, %dma_start3A_22] : memref<100000x64xf32, #tpu.memory_space<hbm>> -> memref<1x64xf32, #tpu.memory_space<hbm>>
      %dma_start3A_24 = arith.constant 0 : i32
      %dma_start3A_25 = tpu.memref_slice %arg6[%add3A_20, %dma_start3A_24] : memref<512x64xf32, #tpu.memory_space<vmem>> -> memref<1x64xf32, #tpu.memory_space<vmem>>
      %dma_start3A_26 = arith.constant 0 : i32
      %dma_start3A_27 = tpu.memref_slice %arg2[%squeeze3A, %dma_start3A_26] : memref<100000x64xf32, #tpu.memory_space<hbm>> -> memref<1x64xf32, #tpu.memory_space<hbm>>
      tpu.enqueue_dma source(%dma_start3A_27 : memref<1x64xf32, #tpu.memory_space<hbm>>) target(%dma_start3A_25 : memref<1x64xf32, #tpu.memory_space<vmem>>) target_semaphore(%arg7 : memref<!tpu.dma_semaphore, #tpu.memory_space<semaphore_mem>>)
      %slice3A_28 = vector.extract_strided_slice %get3A_16 {offsets = [1], sizes = [1], strides = [1]} : vector<16xi32> to vector<1xi32>
      %squeeze3A_29 = vector.extract %slice3A_28[0] : i32 from vector<1xi32>
      %mul3A_30 = arith.constant 16 : i32
      %mul3A_31 = arith.muli %scan3A_12, %mul3A_30 : i32
      %add3A_32 = arith.constant 1 : i32
      %add3A_33 = arith.addi %mul3A_31, %add3A_32 : i32
      %dma_start3A_34 = arith.constant 0 : i32
      %dma_start3A_35 = tpu.memref_slice %arg6[%add3A_33, %dma_start3A_34] : memref<512x64xf32, #tpu.memory_space<vmem>> -> memref<1x64xf32, #tpu.memory_space<vmem>>
      %dma_start3A_36 = arith.constant 0 : i32
      %dma_start3A_37 = tpu.memref_slice %arg2[%squeeze3A_29, %dma_start3A_36] : memref<100000x64xf32, #tpu.memory_space<hbm>> -> memref<1x64xf32, #tpu.memory_space<hbm>>
      %dma_start3A_38 = arith.constant 0 : i32
      %dma_start3A_39 = tpu.memref_slice %arg6[%add3A_33, %dma_start3A_38] : memref<512x64xf32, #tpu.memory_space<vmem>> -> memref<1x64xf32, #tpu.memory_space<vmem>>
      %dma_start3A_40 = arith.constant 0 : i32
      %dma_start3A_41 = tpu.memref_slice %arg2[%squeeze3A_29, %dma_start3A_40] : memref<100000x64xf32, #tpu.memory_space<hbm>> -> memref<1x64xf32, #tpu.memory_space<hbm>>
      tpu.enqueue_dma source(%dma_start3A_41 : memref<1x64xf32, #tpu.memory_space<hbm>>) target(%dma_start3A_39 : memref<1x64xf32, #tpu.memory_space<vmem>>) target_semaphore(%arg7 : memref<!tpu.dma_semaphore, #tpu.memory_space<semaphore_mem>>)
      %slice3A_42 = vector.extract_strided_slice %get3A_16 {offsets = [2], sizes = [1], strides = [1]} : vector<16xi32> to vector<1xi32>
      %squeeze3A_43 = vector.extract %slice3A_42[0] : i32 from vector<1xi32>
      %mul3A_44 = arith.constant 16 : i32
      %mul3A_45 = arith.muli %scan3A_12, %mul3A_44 : i32
      %add3A_46 = arith.constant 2 : i32
      %add3A_47 = arith.addi %mul3A_45, %add3A_46 : i32
      %dma_start3A_48 = arith.constant 0 : i32
      %dma_start3A_49 = tpu.memref_slice %arg6[%add3A_47, %dma_start3A_48] : memref<512x64xf32, #tpu.memory_space<vmem>> -> memref<1x64xf32, #tpu.memory_space<vmem>>
      %dma_start3A_50 = arith.constant 0 : i32
      %dma_start3A_51 = tpu.memref_slice %arg2[%squeeze3A_43, %dma_start3A_50] : memref<100000x64xf32, #tpu.memory_space<hbm>> -> memref<1x64xf32, #tpu.memory_space<hbm>>
      %dma_start3A_52 = arith.constant 0 : i32
      %dma_start3A_53 = tpu.memref_slice %arg6[%add3A_47, %dma_start3A_52] : memref<512x64xf32, #tpu.memory_space<vmem>> -> memref<1x64xf32, #tpu.memory_space<vmem>>
      %dma_start3A_54 = arith.constant 0 : i32
      %dma_start3A_55 = tpu.memref_slice %arg2[%squeeze3A_43, %dma_start3A_54] : memref<100000x64xf32, #tpu.memory_space<hbm>> -> memref<1x64xf32, #tpu.memory_space<hbm>>
      tpu.enqueue_dma source(%dma_start3A_55 : memref<1x64xf32, #tpu.memory_space<hbm>>) target(%dma_start3A_53 : memref<1x64xf32, #tpu.memory_space<vmem>>) target_semaphore(%arg7 : memref<!tpu.dma_semaphore, #tpu.memory_space<semaphore_mem>>)
      %slice3A_56 = vector.extract_strided_slice %get3A_16 {offsets = [3], sizes = [1], strides = [1]} : vector<16xi32> to vector<1xi32>
      %squeeze3A_57 = vector.extract %slice3A_56[0] : i32 from vector<1xi32>
      %mul3A_58 = arith.constant 16 : i32
      %mul3A_59 = arith.muli %scan3A_12, %mul3A_58 : i32
      %add3A_60 = arith.constant 3 : i32
      %add3A_61 = arith.addi %mul3A_59, %add3A_60 : i32
      %dma_start3A_62 = arith.constant 0 : i32
      %dma_start3A_63 = tpu.memref_slice %arg6[%add3A_61, %dma_start3A_62] : memref<512x64xf32, #tpu.memory_space<vmem>> -> memref<1x64xf32, #tpu.memory_space<vmem>>
      %dma_start3A_64 = arith.constant 0 : i32
      %dma_start3A_65 = tpu.memref_slice %arg2[%squeeze3A_57, %dma_start3A_64] : memref<100000x64xf32, #tpu.memory_space<hbm>> -> memref<1x64xf32, #tpu.memory_space<hbm>>
      %dma_start3A_66 = arith.constant 0 : i32
      %dma_start3A_67 = tpu.memref_slice %arg6[%add3A_61, %dma_start3A_66] : memref<512x64xf32, #tpu.memory_space<vmem>> -> memref<1x64xf32, #tpu.memory_space<vmem>>
      %dma_start3A_68 = arith.constant 0 : i32
      %dma_start3A_69 = tpu.memref_slice %arg2[%squeeze3A_57, %dma_start3A_68] : memref<100000x64xf32, #tpu.memory_space<hbm>> -> memref<1x64xf32, #tpu.memory_space<hbm>>
      tpu.enqueue_dma source(%dma_start3A_69 : memref<1x64xf32, #tpu.memory_space<hbm>>) target(%dma_start3A_67 : memref<1x64xf32, #tpu.memory_space<vmem>>) target_semaphore(%arg7 : memref<!tpu.dma_semaphore, #tpu.memory_space<semaphore_mem>>)
      %slice3A_70 = vector.extract_strided_slice %get3A_16 {offsets = [4], sizes = [1], strides = [1]} : vector<16xi32> to vector<1xi32>
      %squeeze3A_71 = vector.extract %slice3A_70[0] : i32 from vector<1xi32>
      %mul3A_72 = arith.constant 16 : i32
      %mul3A_73 = arith.muli %scan3A_12, %mul3A_72 : i32
      %add3A_74 = arith.constant 4 : i32
      %add3A_75 = arith.addi %mul3A_73, %add3A_74 : i32
      %dma_start3A_76 = arith.constant 0 : i32
      %dma_start3A_77 = tpu.memref_slice %arg6[%add3A_75, %dma_start3A_76] : memref<512x64xf32, #tpu.memory_space<vmem>> -> memref<1x64xf32, #tpu.memory_space<vmem>>
      %dma_start3A_78 = arith.constant 0 : i32
      %dma_start3A_79 = tpu.memref_slice %arg2[%squeeze3A_71, %dma_start3A_78] : memref<100000x64xf32, #tpu.memory_space<hbm>> -> memref<1x64xf32, #tpu.memory_space<hbm>>
      %dma_start3A_80 = arith.constant 0 : i32
      %dma_start3A_81 = tpu.memref_slice %arg6[%add3A_75, %dma_start3A_80] : memref<512x64xf32, #tpu.memory_space<vmem>> -> memref<1x64xf32, #tpu.memory_space<vmem>>
      %dma_start3A_82 = arith.constant 0 : i32
      %dma_start3A_83 = tpu.memref_slice %arg2[%squeeze3A_71, %dma_start3A_82] : memref<100000x64xf32, #tpu.memory_space<hbm>> -> memref<1x64xf32, #tpu.memory_space<hbm>>
      tpu.enqueue_dma source(%dma_start3A_83 : memref<1x64xf32, #tpu.memory_space<hbm>>) target(%dma_start3A_81 : memref<1x64xf32, #tpu.memory_space<vmem>>) target_semaphore(%arg7 : memref<!tpu.dma_semaphore, #tpu.memory_space<semaphore_mem>>)
      %slice3A_84 = vector.extract_strided_slice %get3A_16 {offsets = [5], sizes = [1], strides = [1]} : vector<16xi32> to vector<1xi32>
      %squeeze3A_85 = vector.extract %slice3A_84[0] : i32 from vector<1xi32>
      %mul3A_86 = arith.constant 16 : i32
      %mul3A_87 = arith.muli %scan3A_12, %mul3A_86 : i32
      %add3A_88 = arith.constant 5 : i32
      %add3A_89 = arith.addi %mul3A_87, %add3A_88 : i32
      %dma_start3A_90 = arith.constant 0 : i32
      %dma_start3A_91 = tpu.memref_slice %arg6[%add3A_89, %dma_start3A_90] : memref<512x64xf32, #tpu.memory_space<vmem>> -> memref<1x64xf32, #tpu.memory_space<vmem>>
      %dma_start3A_92 = arith.constant 0 : i32
      %dma_start3A_93 = tpu.memref_slice %arg2[%squeeze3A_85, %dma_start3A_92] : memref<100000x64xf32, #tpu.memory_space<hbm>> -> memref<1x64xf32, #tpu.memory_space<hbm>>
      %dma_start3A_94 = arith.constant 0 : i32
      %dma_start3A_95 = tpu.memref_slice %arg6[%add3A_89, %dma_start3A_94] : memref<512x64xf32, #tpu.memory_space<vmem>> -> memref<1x64xf32, #tpu.memory_space<vmem>>
      %dma_start3A_96 = arith.constant 0 : i32
      %dma_start3A_97 = tpu.memref_slice %arg2[%squeeze3A_85, %dma_start3A_96] : memref<100000x64xf32, #tpu.memory_space<hbm>> -> memref<1x64xf32, #tpu.memory_space<hbm>>
      tpu.enqueue_dma source(%dma_start3A_97 : memref<1x64xf32, #tpu.memory_space<hbm>>) target(%dma_start3A_95 : memref<1x64xf32, #tpu.memory_space<vmem>>) target_semaphore(%arg7 : memref<!tpu.dma_semaphore, #tpu.memory_space<semaphore_mem>>)
      %slice3A_98 = vector.extract_strided_slice %get3A_16 {offsets = [6], sizes = [1], strides = [1]} : vector<16xi32> to vector<1xi32>
      %squeeze3A_99 = vector.extract %slice3A_98[0] : i32 from vector<1xi32>
      %mul3A_100 = arith.constant 16 : i32
      %mul3A_101 = arith.muli %scan3A_12, %mul3A_100 : i32
      %add3A_102 = arith.constant 6 : i32
      %add3A_103 = arith.addi %mul3A_101, %add3A_102 : i32
      %dma_start3A_104 = arith.constant 0 : i32
      %dma_start3A_105 = tpu.memref_slice %arg6[%add3A_103, %dma_start3A_104] : memref<512x64xf32, #tpu.memory_space<vmem>> -> memref<1x64xf32, #tpu.memory_space<vmem>>
      %dma_start3A_106 = arith.constant 0 : i32
      %dma_start3A_107 = tpu.memref_slice %arg2[%squeeze3A_99, %dma_start3A_106] : memref<100000x64xf32, #tpu.memory_space<hbm>> -> memref<1x64xf32, #tpu.memory_space<hbm>>
      %dma_start3A_108 = arith.constant 0 : i32
      %dma_start3A_109 = tpu.memref_slice %arg6[%add3A_103, %dma_start3A_108] : memref<512x64xf32, #tpu.memory_space<vmem>> -> memref<1x64xf32, #tpu.memory_space<vmem>>
      %dma_start3A_110 = arith.constant 0 : i32
      %dma_start3A_111 = tpu.memref_slice %arg2[%squeeze3A_99, %dma_start3A_110] : memref<100000x64xf32, #tpu.memory_space<hbm>> -> memref<1x64xf32, #tpu.memory_space<hbm>>
      tpu.enqueue_dma source(%dma_start3A_111 : memref<1x64xf32, #tpu.memory_space<hbm>>) target(%dma_start3A_109 : memref<1x64xf32, #tpu.memory_space<vmem>>) target_semaphore(%arg7 : memref<!tpu.dma_semaphore, #tpu.memory_space<semaphore_mem>>)
      %slice3A_112 = vector.extract_strided_slice %get3A_16 {offsets = [7], sizes = [1], strides = [1]} : vector<16xi32> to vector<1xi32>
      %squeeze3A_113 = vector.extract %slice3A_112[0] : i32 from vector<1xi32>
      %mul3A_114 = arith.constant 16 : i32
      %mul3A_115 = arith.muli %scan3A_12, %mul3A_114 : i32
      %add3A_116 = arith.constant 7 : i32
      %add3A_117 = arith.addi %mul3A_115, %add3A_116 : i32
      %dma_start3A_118 = arith.constant 0 : i32
      %dma_start3A_119 = tpu.memref_slice %arg6[%add3A_117, %dma_start3A_118] : memref<512x64xf32, #tpu.memory_space<vmem>> -> memref<1x64xf32, #tpu.memory_space<vmem>>
      %dma_start3A_120 = arith.constant 0 : i32
      %dma_start3A_121 = tpu.memref_slice %arg2[%squeeze3A_113, %dma_start3A_120] : memref<100000x64xf32, #tpu.memory_space<hbm>> -> memref<1x64xf32, #tpu.memory_space<hbm>>
      %dma_start3A_122 = arith.constant 0 : i32
      %dma_start3A_123 = tpu.memref_slice %arg6[%add3A_117, %dma_start3A_122] : memref<512x64xf32, #tpu.memory_space<vmem>> -> memref<1x64xf32, #tpu.memory_space<vmem>>
      %dma_start3A_124 = arith.constant 0 : i32
      %dma_start3A_125 = tpu.memref_slice %arg2[%squeeze3A_113, %dma_start3A_124] : memref<100000x64xf32, #tpu.memory_space<hbm>> -> memref<1x64xf32, #tpu.memory_space<hbm>>
      tpu.enqueue_dma source(%dma_start3A_125 : memref<1x64xf32, #tpu.memory_space<hbm>>) target(%dma_start3A_123 : memref<1x64xf32, #tpu.memory_space<vmem>>) target_semaphore(%arg7 : memref<!tpu.dma_semaphore, #tpu.memory_space<semaphore_mem>>)
      %slice3A_126 = vector.extract_strided_slice %get3A_16 {offsets = [8], sizes = [1], strides = [1]} : vector<16xi32> to vector<1xi32>
      %squeeze3A_127 = vector.extract %slice3A_126[0] : i32 from vector<1xi32>
      %mul3A_128 = arith.constant 16 : i32
      %mul3A_129 = arith.muli %scan3A_12, %mul3A_128 : i32
      %add3A_130 = arith.constant 8 : i32
      %add3A_131 = arith.addi %mul3A_129, %add3A_130 : i32
      %dma_start3A_132 = arith.constant 0 : i32
      %dma_start3A_133 = tpu.memref_slice %arg6[%add3A_131, %dma_start3A_132] : memref<512x64xf32, #tpu.memory_space<vmem>> -> memref<1x64xf32, #tpu.memory_space<vmem>>
      %dma_start3A_134 = arith.constant 0 : i32
      %dma_start3A_135 = tpu.memref_slice %arg2[%squeeze3A_127, %dma_start3A_134] : memref<100000x64xf32, #tpu.memory_space<hbm>> -> memref<1x64xf32, #tpu.memory_space<hbm>>
      %dma_start3A_136 = arith.constant 0 : i32
      %dma_start3A_137 = tpu.memref_slice %arg6[%add3A_131, %dma_start3A_136] : memref<512x64xf32, #tpu.memory_space<vmem>> -> memref<1x64xf32, #tpu.memory_space<vmem>>
      %dma_start3A_138 = arith.constant 0 : i32
      %dma_start3A_139 = tpu.memref_slice %arg2[%squeeze3A_127, %dma_start3A_138] : memref<100000x64xf32, #tpu.memory_space<hbm>> -> memref<1x64xf32, #tpu.memory_space<hbm>>
      tpu.enqueue_dma source(%dma_start3A_139 : memref<1x64xf32, #tpu.memory_space<hbm>>) target(%dma_start3A_137 : memref<1x64xf32, #tpu.memory_space<vmem>>) target_semaphore(%arg7 : memref<!tpu.dma_semaphore, #tpu.memory_space<semaphore_mem>>)
      %slice3A_140 = vector.extract_strided_slice %get3A_16 {offsets = [9], sizes = [1], strides = [1]} : vector<16xi32> to vector<1xi32>
      %squeeze3A_141 = vector.extract %slice3A_140[0] : i32 from vector<1xi32>
      %mul3A_142 = arith.constant 16 : i32
      %mul3A_143 = arith.muli %scan3A_12, %mul3A_142 : i32
      %add3A_144 = arith.constant 9 : i32
      %add3A_145 = arith.addi %mul3A_143, %add3A_144 : i32
      %dma_start3A_146 = arith.constant 0 : i32
      %dma_start3A_147 = tpu.memref_slice %arg6[%add3A_145, %dma_start3A_146] : memref<512x64xf32, #tpu.memory_space<vmem>> -> memref<1x64xf32, #tpu.memory_space<vmem>>
      %dma_start3A_148 = arith.constant 0 : i32
      %dma_start3A_149 = tpu.memref_slice %arg2[%squeeze3A_141, %dma_start3A_148] : memref<100000x64xf32, #tpu.memory_space<hbm>> -> memref<1x64xf32, #tpu.memory_space<hbm>>
      %dma_start3A_150 = arith.constant 0 : i32
      %dma_start3A_151 = tpu.memref_slice %arg6[%add3A_145, %dma_start3A_150] : memref<512x64xf32, #tpu.memory_space<vmem>> -> memref<1x64xf32, #tpu.memory_space<vmem>>
      %dma_start3A_152 = arith.constant 0 : i32
      %dma_start3A_153 = tpu.memref_slice %arg2[%squeeze3A_141, %dma_start3A_152] : memref<100000x64xf32, #tpu.memory_space<hbm>> -> memref<1x64xf32, #tpu.memory_space<hbm>>
      tpu.enqueue_dma source(%dma_start3A_153 : memref<1x64xf32, #tpu.memory_space<hbm>>) target(%dma_start3A_151 : memref<1x64xf32, #tpu.memory_space<vmem>>) target_semaphore(%arg7 : memref<!tpu.dma_semaphore, #tpu.memory_space<semaphore_mem>>)
      %slice3A_154 = vector.extract_strided_slice %get3A_16 {offsets = [10], sizes = [1], strides = [1]} : vector<16xi32> to vector<1xi32>
      %squeeze3A_155 = vector.extract %slice3A_154[0] : i32 from vector<1xi32>
      %mul3A_156 = arith.constant 16 : i32
      %mul3A_157 = arith.muli %scan3A_12, %mul3A_156 : i32
      %add3A_158 = arith.constant 10 : i32
      %add3A_159 = arith.addi %mul3A_157, %add3A_158 : i32
      %dma_start3A_160 = arith.constant 0 : i32
      %dma_start3A_161 = tpu.memref_slice %arg6[%add3A_159, %dma_start3A_160] : memref<512x64xf32, #tpu.memory_space<vmem>> -> memref<1x64xf32, #tpu.memory_space<vmem>>
      %dma_start3A_162 = arith.constant 0 : i32
      %dma_start3A_163 = tpu.memref_slice %arg2[%squeeze3A_155, %dma_start3A_162] : memref<100000x64xf32, #tpu.memory_space<hbm>> -> memref<1x64xf32, #tpu.memory_space<hbm>>
      %dma_start3A_164 = arith.constant 0 : i32
      %dma_start3A_165 = tpu.memref_slice %arg6[%add3A_159, %dma_start3A_164] : memref<512x64xf32, #tpu.memory_space<vmem>> -> memref<1x64xf32, #tpu.memory_space<vmem>>
      %dma_start3A_166 = arith.constant 0 : i32
      %dma_start3A_167 = tpu.memref_slice %arg2[%squeeze3A_155, %dma_start3A_166] : memref<100000x64xf32, #tpu.memory_space<hbm>> -> memref<1x64xf32, #tpu.memory_space<hbm>>
      tpu.enqueue_dma source(%dma_start3A_167 : memref<1x64xf32, #tpu.memory_space<hbm>>) target(%dma_start3A_165 : memref<1x64xf32, #tpu.memory_space<vmem>>) target_semaphore(%arg7 : memref<!tpu.dma_semaphore, #tpu.memory_space<semaphore_mem>>)
      %slice3A_168 = vector.extract_strided_slice %get3A_16 {offsets = [11], sizes = [1], strides = [1]} : vector<16xi32> to vector<1xi32>
      %squeeze3A_169 = vector.extract %slice3A_168[0] : i32 from vector<1xi32>
      %mul3A_170 = arith.constant 16 : i32
      %mul3A_171 = arith.muli %scan3A_12, %mul3A_170 : i32
      %add3A_172 = arith.constant 11 : i32
      %add3A_173 = arith.addi %mul3A_171, %add3A_172 : i32
      %dma_start3A_174 = arith.constant 0 : i32
      %dma_start3A_175 = tpu.memref_slice %arg6[%add3A_173, %dma_start3A_174] : memref<512x64xf32, #tpu.memory_space<vmem>> -> memref<1x64xf32, #tpu.memory_space<vmem>>
      %dma_start3A_176 = arith.constant 0 : i32
      %dma_start3A_177 = tpu.memref_slice %arg2[%squeeze3A_169, %dma_start3A_176] : memref<100000x64xf32, #tpu.memory_space<hbm>> -> memref<1x64xf32, #tpu.memory_space<hbm>>
      %dma_start3A_178 = arith.constant 0 : i32
      %dma_start3A_179 = tpu.memref_slice %arg6[%add3A_173, %dma_start3A_178] : memref<512x64xf32, #tpu.memory_space<vmem>> -> memref<1x64xf32, #tpu.memory_space<vmem>>
      %dma_start3A_180 = arith.constant 0 : i32
      %dma_start3A_181 = tpu.memref_slice %arg2[%squeeze3A_169, %dma_start3A_180] : memref<100000x64xf32, #tpu.memory_space<hbm>> -> memref<1x64xf32, #tpu.memory_space<hbm>>
      tpu.enqueue_dma source(%dma_start3A_181 : memref<1x64xf32, #tpu.memory_space<hbm>>) target(%dma_start3A_179 : memref<1x64xf32, #tpu.memory_space<vmem>>) target_semaphore(%arg7 : memref<!tpu.dma_semaphore, #tpu.memory_space<semaphore_mem>>)
      %slice3A_182 = vector.extract_strided_slice %get3A_16 {offsets = [12], sizes = [1], strides = [1]} : vector<16xi32> to vector<1xi32>
      %squeeze3A_183 = vector.extract %slice3A_182[0] : i32 from vector<1xi32>
      %mul3A_184 = arith.constant 16 : i32
      %mul3A_185 = arith.muli %scan3A_12, %mul3A_184 : i32
      %add3A_186 = arith.constant 12 : i32
      %add3A_187 = arith.addi %mul3A_185, %add3A_186 : i32
      %dma_start3A_188 = arith.constant 0 : i32
      %dma_start3A_189 = tpu.memref_slice %arg6[%add3A_187, %dma_start3A_188] : memref<512x64xf32, #tpu.memory_space<vmem>> -> memref<1x64xf32, #tpu.memory_space<vmem>>
      %dma_start3A_190 = arith.constant 0 : i32
      %dma_start3A_191 = tpu.memref_slice %arg2[%squeeze3A_183, %dma_start3A_190] : memref<100000x64xf32, #tpu.memory_space<hbm>> -> memref<1x64xf32, #tpu.memory_space<hbm>>
      %dma_start3A_192 = arith.constant 0 : i32
      %dma_start3A_193 = tpu.memref_slice %arg6[%add3A_187, %dma_start3A_192] : memref<512x64xf32, #tpu.memory_space<vmem>> -> memref<1x64xf32, #tpu.memory_space<vmem>>
      %dma_start3A_194 = arith.constant 0 : i32
      %dma_start3A_195 = tpu.memref_slice %arg2[%squeeze3A_183, %dma_start3A_194] : memref<100000x64xf32, #tpu.memory_space<hbm>> -> memref<1x64xf32, #tpu.memory_space<hbm>>
      tpu.enqueue_dma source(%dma_start3A_195 : memref<1x64xf32, #tpu.memory_space<hbm>>) target(%dma_start3A_193 : memref<1x64xf32, #tpu.memory_space<vmem>>) target_semaphore(%arg7 : memref<!tpu.dma_semaphore, #tpu.memory_space<semaphore_mem>>)
      %slice3A_196 = vector.extract_strided_slice %get3A_16 {offsets = [13], sizes = [1], strides = [1]} : vector<16xi32> to vector<1xi32>
      %squeeze3A_197 = vector.extract %slice3A_196[0] : i32 from vector<1xi32>
      %mul3A_198 = arith.constant 16 : i32
      %mul3A_199 = arith.muli %scan3A_12, %mul3A_198 : i32
      %add3A_200 = arith.constant 13 : i32
      %add3A_201 = arith.addi %mul3A_199, %add3A_200 : i32
      %dma_start3A_202 = arith.constant 0 : i32
      %dma_start3A_203 = tpu.memref_slice %arg6[%add3A_201, %dma_start3A_202] : memref<512x64xf32, #tpu.memory_space<vmem>> -> memref<1x64xf32, #tpu.memory_space<vmem>>
      %dma_start3A_204 = arith.constant 0 : i32
      %dma_start3A_205 = tpu.memref_slice %arg2[%squeeze3A_197, %dma_start3A_204] : memref<100000x64xf32, #tpu.memory_space<hbm>> -> memref<1x64xf32, #tpu.memory_space<hbm>>
      %dma_start3A_206 = arith.constant 0 : i32
      %dma_start3A_207 = tpu.memref_slice %arg6[%add3A_201, %dma_start3A_206] : memref<512x64xf32, #tpu.memory_space<vmem>> -> memref<1x64xf32, #tpu.memory_space<vmem>>
      %dma_start3A_208 = arith.constant 0 : i32
      %dma_start3A_209 = tpu.memref_slice %arg2[%squeeze3A_197, %dma_start3A_208] : memref<100000x64xf32, #tpu.memory_space<hbm>> -> memref<1x64xf32, #tpu.memory_space<hbm>>
      tpu.enqueue_dma source(%dma_start3A_209 : memref<1x64xf32, #tpu.memory_space<hbm>>) target(%dma_start3A_207 : memref<1x64xf32, #tpu.memory_space<vmem>>) target_semaphore(%arg7 : memref<!tpu.dma_semaphore, #tpu.memory_space<semaphore_mem>>)
      %slice3A_210 = vector.extract_strided_slice %get3A_16 {offsets = [14], sizes = [1], strides = [1]} : vector<16xi32> to vector<1xi32>
      %squeeze3A_211 = vector.extract %slice3A_210[0] : i32 from vector<1xi32>
      %mul3A_212 = arith.constant 16 : i32
      %mul3A_213 = arith.muli %scan3A_12, %mul3A_212 : i32
      %add3A_214 = arith.constant 14 : i32
      %add3A_215 = arith.addi %mul3A_213, %add3A_214 : i32
      %dma_start3A_216 = arith.constant 0 : i32
      %dma_start3A_217 = tpu.memref_slice %arg6[%add3A_215, %dma_start3A_216] : memref<512x64xf32, #tpu.memory_space<vmem>> -> memref<1x64xf32, #tpu.memory_space<vmem>>
      %dma_start3A_218 = arith.constant 0 : i32
      %dma_start3A_219 = tpu.memref_slice %arg2[%squeeze3A_211, %dma_start3A_218] : memref<100000x64xf32, #tpu.memory_space<hbm>> -> memref<1x64xf32, #tpu.memory_space<hbm>>
      %dma_start3A_220 = arith.constant 0 : i32
      %dma_start3A_221 = tpu.memref_slice %arg6[%add3A_215, %dma_start3A_220] : memref<512x64xf32, #tpu.memory_space<vmem>> -> memref<1x64xf32, #tpu.memory_space<vmem>>
      %dma_start3A_222 = arith.constant 0 : i32
      %dma_start3A_223 = tpu.memref_slice %arg2[%squeeze3A_211, %dma_start3A_222] : memref<100000x64xf32, #tpu.memory_space<hbm>> -> memref<1x64xf32, #tpu.memory_space<hbm>>
      tpu.enqueue_dma source(%dma_start3A_223 : memref<1x64xf32, #tpu.memory_space<hbm>>) target(%dma_start3A_221 : memref<1x64xf32, #tpu.memory_space<vmem>>) target_semaphore(%arg7 : memref<!tpu.dma_semaphore, #tpu.memory_space<semaphore_mem>>)
      %slice3A_224 = vector.extract_strided_slice %get3A_16 {offsets = [15], sizes = [1], strides = [1]} : vector<16xi32> to vector<1xi32>
      %squeeze3A_225 = vector.extract %slice3A_224[0] : i32 from vector<1xi32>
      %mul3A_226 = arith.constant 16 : i32
      %mul3A_227 = arith.muli %scan3A_12, %mul3A_226 : i32
      %add3A_228 = arith.constant 15 : i32
      %add3A_229 = arith.addi %mul3A_227, %add3A_228 : i32
      %dma_start3A_230 = arith.constant 0 : i32
      %dma_start3A_231 = tpu.memref_slice %arg6[%add3A_229, %dma_start3A_230] : memref<512x64xf32, #tpu.memory_space<vmem>> -> memref<1x64xf32, #tpu.memory_space<vmem>>
      %dma_start3A_232 = arith.constant 0 : i32
      %dma_start3A_233 = tpu.memref_slice %arg2[%squeeze3A_225, %dma_start3A_232] : memref<100000x64xf32, #tpu.memory_space<hbm>> -> memref<1x64xf32, #tpu.memory_space<hbm>>
      %dma_start3A_234 = arith.constant 0 : i32
      %dma_start3A_235 = tpu.memref_slice %arg6[%add3A_229, %dma_start3A_234] : memref<512x64xf32, #tpu.memory_space<vmem>> -> memref<1x64xf32, #tpu.memory_space<vmem>>
      %dma_start3A_236 = arith.constant 0 : i32
      %dma_start3A_237 = tpu.memref_slice %arg2[%squeeze3A_225, %dma_start3A_236] : memref<100000x64xf32, #tpu.memory_space<hbm>> -> memref<1x64xf32, #tpu.memory_space<hbm>>
      tpu.enqueue_dma source(%dma_start3A_237 : memref<1x64xf32, #tpu.memory_space<hbm>>) target(%dma_start3A_235 : memref<1x64xf32, #tpu.memory_space<vmem>>) target_semaphore(%arg7 : memref<!tpu.dma_semaphore, #tpu.memory_space<semaphore_mem>>)
      %scan3A_238 = arith.constant 1 : i32
      %scan3A_239 = arith.addi %scan3A_12, %scan3A_238 : i32
      %mul3A_240 = arith.constant 16 : i32
      %mul3A_241 = arith.muli %scan3A_239, %mul3A_240 : i32
      %get3A_242 = arith.index_cast %mul3A_241 : i32 to index
      %get3A_243 = tpu.vector_load %arg5[%get3A_242] {strides = array<i32>} : memref<512xi32, #tpu.memory_space<vmem>>, vector<16xi32>,
      %get3A_244 = vector.shape_cast %get3A_243 : vector<16xi32> to vector<16xi32>
      %slice3A_245 = vector.extract_strided_slice %get3A_244 {offsets = [0], sizes = [1], strides = [1]} : vector<16xi32> to vector<1xi32>
      %squeeze3A_246 = vector.extract %slice3A_245[0] : i32 from vector<1xi32>
      %mul3A_247 = arith.constant 16 : i32
      %mul3A_248 = arith.muli %scan3A_239, %mul3A_247 : i32
      %add3A_249 = arith.constant 0 : i32
      %add3A_250 = arith.addi %mul3A_248, %add3A_249 : i32
      %dma_start3A_251 = arith.constant 0 : i32
      %dma_start3A_252 = tpu.memref_slice %arg6[%add3A_250, %dma_start3A_251] : memref<512x64xf32, #tpu.memory_space<vmem>> -> memref<1x64xf32, #tpu.memory_space<vmem>>
      %dma_start3A_253 = arith.constant 0 : i32
      %dma_start3A_254 = tpu.memref_slice %arg2[%squeeze3A_246, %dma_start3A_253] : memref<100000x64xf32, #tpu.memory_space<hbm>> -> memref<1x64xf32, #tpu.memory_space<hbm>>
      %dma_start3A_255 = arith.constant 0 : i32
      %dma_start3A_256 = tpu.memref_slice %arg6[%add3A_250, %dma_start3A_255] : memref<512x64xf32, #tpu.memory_space<vmem>> -> memref<1x64xf32, #tpu.memory_space<vmem>>
      %dma_start3A_257 = arith.constant 0 : i32
      %dma_start3A_258 = tpu.memref_slice %arg2[%squeeze3A_246, %dma_start3A_257] : memref<100000x64xf32, #tpu.memory_space<hbm>> -> memref<1x64xf32, #tpu.memory_space<hbm>>
      tpu.enqueue_dma source(%dma_start3A_258 : memref<1x64xf32, #tpu.memory_space<hbm>>) target(%dma_start3A_256 : memref<1x64xf32, #tpu.memory_space<vmem>>) target_semaphore(%arg7 : memref<!tpu.dma_semaphore, #tpu.memory_space<semaphore_mem>>)
      %slice3A_259 = vector.extract_strided_slice %get3A_244 {offsets = [1], sizes = [1], strides = [1]} : vector<16xi32> to vector<1xi32>
      %squeeze3A_260 = vector.extract %slice3A_259[0] : i32 from vector<1xi32>
      %mul3A_261 = arith.constant 16 : i32
      %mul3A_262 = arith.muli %scan3A_239, %mul3A_261 : i32
      %add3A_263 = arith.constant 1 : i32
      %add3A_264 = arith.addi %mul3A_262, %add3A_263 : i32
      %dma_start3A_265 = arith.constant 0 : i32
      %dma_start3A_266 = tpu.memref_slice %arg6[%add3A_264, %dma_start3A_265] : memref<512x64xf32, #tpu.memory_space<vmem>> -> memref<1x64xf32, #tpu.memory_space<vmem>>
      %dma_start3A_267 = arith.constant 0 : i32
      %dma_start3A_268 = tpu.memref_slice %arg2[%squeeze3A_260, %dma_start3A_267] : memref<100000x64xf32, #tpu.memory_space<hbm>> -> memref<1x64xf32, #tpu.memory_space<hbm>>
      %dma_start3A_269 = arith.constant 0 : i32
      %dma_start3A_270 = tpu.memref_slice %arg6[%add3A_264, %dma_start3A_269] : memref<512x64xf32, #tpu.memory_space<vmem>> -> memref<1x64xf32, #tpu.memory_space<vmem>>
      %dma_start3A_271 = arith.constant 0 : i32
      %dma_start3A_272 = tpu.memref_slice %arg2[%squeeze3A_260, %dma_start3A_271] : memref<100000x64xf32, #tpu.memory_space<hbm>> -> memref<1x64xf32, #tpu.memory_space<hbm>>
      tpu.enqueue_dma source(%dma_start3A_272 : memref<1x64xf32, #tpu.memory_space<hbm>>) target(%dma_start3A_270 : memref<1x64xf32, #tpu.memory_space<vmem>>) target_semaphore(%arg7 : memref<!tpu.dma_semaphore, #tpu.memory_space<semaphore_mem>>)
      %slice3A_273 = vector.extract_strided_slice %get3A_244 {offsets = [2], sizes = [1], strides = [1]} : vector<16xi32> to vector<1xi32>
      %squeeze3A_274 = vector.extract %slice3A_273[0] : i32 from vector<1xi32>
      %mul3A_275 = arith.constant 16 : i32
      %mul3A_276 = arith.muli %scan3A_239, %mul3A_275 : i32
      %add3A_277 = arith.constant 2 : i32
      %add3A_278 = arith.addi %mul3A_276, %add3A_277 : i32
      %dma_start3A_279 = arith.constant 0 : i32
      %dma_start3A_280 = tpu.memref_slice %arg6[%add3A_278, %dma_start3A_279] : memref<512x64xf32, #tpu.memory_space<vmem>> -> memref<1x64xf32, #tpu.memory_space<vmem>>
      %dma_start3A_281 = arith.constant 0 : i32
      %dma_start3A_282 = tpu.memref_slice %arg2[%squeeze3A_274, %dma_start3A_281] : memref<100000x64xf32, #tpu.memory_space<hbm>> -> memref<1x64xf32, #tpu.memory_space<hbm>>
      %dma_start3A_283 = arith.constant 0 : i32
      %dma_start3A_284 = tpu.memref_slice %arg6[%add3A_278, %dma_start3A_283] : memref<512x64xf32, #tpu.memory_space<vmem>> -> memref<1x64xf32, #tpu.memory_space<vmem>>
      %dma_start3A_285 = arith.constant 0 : i32
      %dma_start3A_286 = tpu.memref_slice %arg2[%squeeze3A_274, %dma_start3A_285] : memref<100000x64xf32, #tpu.memory_space<hbm>> -> memref<1x64xf32, #tpu.memory_space<hbm>>
      tpu.enqueue_dma source(%dma_start3A_286 : memref<1x64xf32, #tpu.memory_space<hbm>>) target(%dma_start3A_284 : memref<1x64xf32, #tpu.memory_space<vmem>>) target_semaphore(%arg7 : memref<!tpu.dma_semaphore, #tpu.memory_space<semaphore_mem>>)
      %slice3A_287 = vector.extract_strided_slice %get3A_244 {offsets = [3], sizes = [1], strides = [1]} : vector<16xi32> to vector<1xi32>
      %squeeze3A_288 = vector.extract %slice3A_287[0] : i32 from vector<1xi32>
      %mul3A_289 = arith.constant 16 : i32
      %mul3A_290 = arith.muli %scan3A_239, %mul3A_289 : i32
      %add3A_291 = arith.constant 3 : i32
      %add3A_292 = arith.addi %mul3A_290, %add3A_291 : i32
      %dma_start3A_293 = arith.constant 0 : i32
      %dma_start3A_294 = tpu.memref_slice %arg6[%add3A_292, %dma_start3A_293] : memref<512x64xf32, #tpu.memory_space<vmem>> -> memref<1x64xf32, #tpu.memory_space<vmem>>
      %dma_start3A_295 = arith.constant 0 : i32
      %dma_start3A_296 = tpu.memref_slice %arg2[%squeeze3A_288, %dma_start3A_295] : memref<100000x64xf32, #tpu.memory_space<hbm>> -> memref<1x64xf32, #tpu.memory_space<hbm>>
      %dma_start3A_297 = arith.constant 0 : i32
      %dma_start3A_298 = tpu.memref_slice %arg6[%add3A_292, %dma_start3A_297] : memref<512x64xf32, #tpu.memory_space<vmem>> -> memref<1x64xf32, #tpu.memory_space<vmem>>
      %dma_start3A_299 = arith.constant 0 : i32
      %dma_start3A_300 = tpu.memref_slice %arg2[%squeeze3A_288, %dma_start3A_299] : memref<100000x64xf32, #tpu.memory_space<hbm>> -> memref<1x64xf32, #tpu.memory_space<hbm>>
      tpu.enqueue_dma source(%dma_start3A_300 : memref<1x64xf32, #tpu.memory_space<hbm>>) target(%dma_start3A_298 : memref<1x64xf32, #tpu.memory_space<vmem>>) target_semaphore(%arg7 : memref<!tpu.dma_semaphore, #tpu.memory_space<semaphore_mem>>)
      %slice3A_301 = vector.extract_strided_slice %get3A_244 {offsets = [4], sizes = [1], strides = [1]} : vector<16xi32> to vector<1xi32>
      %squeeze3A_302 = vector.extract %slice3A_301[0] : i32 from vector<1xi32>
      %mul3A_303 = arith.constant 16 : i32
      %mul3A_304 = arith.muli %scan3A_239, %mul3A_303 : i32
      %add3A_305 = arith.constant 4 : i32
      %add3A_306 = arith.addi %mul3A_304, %add3A_305 : i32
      %dma_start3A_307 = arith.constant 0 : i32
      %dma_start3A_308 = tpu.memref_slice %arg6[%add3A_306, %dma_start3A_307] : memref<512x64xf32, #tpu.memory_space<vmem>> -> memref<1x64xf32, #tpu.memory_space<vmem>>
      %dma_start3A_309 = arith.constant 0 : i32
      %dma_start3A_310 = tpu.memref_slice %arg2[%squeeze3A_302, %dma_start3A_309] : memref<100000x64xf32, #tpu.memory_space<hbm>> -> memref<1x64xf32, #tpu.memory_space<hbm>>
      %dma_start3A_311 = arith.constant 0 : i32
      %dma_start3A_312 = tpu.memref_slice %arg6[%add3A_306, %dma_start3A_311] : memref<512x64xf32, #tpu.memory_space<vmem>> -> memref<1x64xf32, #tpu.memory_space<vmem>>
      %dma_start3A_313 = arith.constant 0 : i32
      %dma_start3A_314 = tpu.memref_slice %arg2[%squeeze3A_302, %dma_start3A_313] : memref<100000x64xf32, #tpu.memory_space<hbm>> -> memref<1x64xf32, #tpu.memory_space<hbm>>
      tpu.enqueue_dma source(%dma_start3A_314 : memref<1x64xf32, #tpu.memory_space<hbm>>) target(%dma_start3A_312 : memref<1x64xf32, #tpu.memory_space<vmem>>) target_semaphore(%arg7 : memref<!tpu.dma_semaphore, #tpu.memory_space<semaphore_mem>>)
      %slice3A_315 = vector.extract_strided_slice %get3A_244 {offsets = [5], sizes = [1], strides = [1]} : vector<16xi32> to vector<1xi32>
      %squeeze3A_316 = vector.extract %slice3A_315[0] : i32 from vector<1xi32>
      %mul3A_317 = arith.constant 16 : i32
      %mul3A_318 = arith.muli %scan3A_239, %mul3A_317 : i32
      %add3A_319 = arith.constant 5 : i32
      %add3A_320 = arith.addi %mul3A_318, %add3A_319 : i32
      %dma_start3A_321 = arith.constant 0 : i32
      %dma_start3A_322 = tpu.memref_slice %arg6[%add3A_320, %dma_start3A_321] : memref<512x64xf32, #tpu.memory_space<vmem>> -> memref<1x64xf32, #tpu.memory_space<vmem>>
      %dma_start3A_323 = arith.constant 0 : i32
      %dma_start3A_324 = tpu.memref_slice %arg2[%squeeze3A_316, %dma_start3A_323] : memref<100000x64xf32, #tpu.memory_space<hbm>> -> memref<1x64xf32, #tpu.memory_space<hbm>>
      %dma_start3A_325 = arith.constant 0 : i32
      %dma_start3A_326 = tpu.memref_slice %arg6[%add3A_320, %dma_start3A_325] : memref<512x64xf32, #tpu.memory_space<vmem>> -> memref<1x64xf32, #tpu.memory_space<vmem>>
      %dma_start3A_327 = arith.constant 0 : i32
      %dma_start3A_328 = tpu.memref_slice %arg2[%squeeze3A_316, %dma_start3A_327] : memref<100000x64xf32, #tpu.memory_space<hbm>> -> memref<1x64xf32, #tpu.memory_space<hbm>>
      tpu.enqueue_dma source(%dma_start3A_328 : memref<1x64xf32, #tpu.memory_space<hbm>>) target(%dma_start3A_326 : memref<1x64xf32, #tpu.memory_space<vmem>>) target_semaphore(%arg7 : memref<!tpu.dma_semaphore, #tpu.memory_space<semaphore_mem>>)
      %slice3A_329 = vector.extract_strided_slice %get3A_244 {offsets = [6], sizes = [1], strides = [1]} : vector<16xi32> to vector<1xi32>
      %squeeze3A_330 = vector.extract %slice3A_329[0] : i32 from vector<1xi32>
      %mul3A_331 = arith.constant 16 : i32
      %mul3A_332 = arith.muli %scan3A_239, %mul3A_331 : i32
      %add3A_333 = arith.constant 6 : i32
      %add3A_334 = arith.addi %mul3A_332, %add3A_333 : i32
      %dma_start3A_335 = arith.constant 0 : i32
      %dma_start3A_336 = tpu.memref_slice %arg6[%add3A_334, %dma_start3A_335] : memref<512x64xf32, #tpu.memory_space<vmem>> -> memref<1x64xf32, #tpu.memory_space<vmem>>
      %dma_start3A_337 = arith.constant 0 : i32
      %dma_start3A_338 = tpu.memref_slice %arg2[%squeeze3A_330, %dma_start3A_337] : memref<100000x64xf32, #tpu.memory_space<hbm>> -> memref<1x64xf32, #tpu.memory_space<hbm>>
      %dma_start3A_339 = arith.constant 0 : i32
      %dma_start3A_340 = tpu.memref_slice %arg6[%add3A_334, %dma_start3A_339] : memref<512x64xf32, #tpu.memory_space<vmem>> -> memref<1x64xf32, #tpu.memory_space<vmem>>
      %dma_start3A_341 = arith.constant 0 : i32
      %dma_start3A_342 = tpu.memref_slice %arg2[%squeeze3A_330, %dma_start3A_341] : memref<100000x64xf32, #tpu.memory_space<hbm>> -> memref<1x64xf32, #tpu.memory_space<hbm>>
      tpu.enqueue_dma source(%dma_start3A_342 : memref<1x64xf32, #tpu.memory_space<hbm>>) target(%dma_start3A_340 : memref<1x64xf32, #tpu.memory_space<vmem>>) target_semaphore(%arg7 : memref<!tpu.dma_semaphore, #tpu.memory_space<semaphore_mem>>)
      %slice3A_343 = vector.extract_strided_slice %get3A_244 {offsets = [7], sizes = [1], strides = [1]} : vector<16xi32> to vector<1xi32>
      %squeeze3A_344 = vector.extract %slice3A_343[0] : i32 from vector<1xi32>
      %mul3A_345 = arith.constant 16 : i32
      %mul3A_346 = arith.muli %scan3A_239, %mul3A_345 : i32
      %add3A_347 = arith.constant 7 : i32
      %add3A_348 = arith.addi %mul3A_346, %add3A_347 : i32
      %dma_start3A_349 = arith.constant 0 : i32
      %dma_start3A_350 = tpu.memref_slice %arg6[%add3A_348, %dma_start3A_349] : memref<512x64xf32, #tpu.memory_space<vmem>> -> memref<1x64xf32, #tpu.memory_space<vmem>>
      %dma_start3A_351 = arith.constant 0 : i32
      %dma_start3A_352 = tpu.memref_slice %arg2[%squeeze3A_344, %dma_start3A_351] : memref<100000x64xf32, #tpu.memory_space<hbm>> -> memref<1x64xf32, #tpu.memory_space<hbm>>
      %dma_start3A_353 = arith.constant 0 : i32
      %dma_start3A_354 = tpu.memref_slice %arg6[%add3A_348, %dma_start3A_353] : memref<512x64xf32, #tpu.memory_space<vmem>> -> memref<1x64xf32, #tpu.memory_space<vmem>>
      %dma_start3A_355 = arith.constant 0 : i32
      %dma_start3A_356 = tpu.memref_slice %arg2[%squeeze3A_344, %dma_start3A_355] : memref<100000x64xf32, #tpu.memory_space<hbm>> -> memref<1x64xf32, #tpu.memory_space<hbm>>
      tpu.enqueue_dma source(%dma_start3A_356 : memref<1x64xf32, #tpu.memory_space<hbm>>) target(%dma_start3A_354 : memref<1x64xf32, #tpu.memory_space<vmem>>) target_semaphore(%arg7 : memref<!tpu.dma_semaphore, #tpu.memory_space<semaphore_mem>>)
      %slice3A_357 = vector.extract_strided_slice %get3A_244 {offsets = [8], sizes = [1], strides = [1]} : vector<16xi32> to vector<1xi32>
      %squeeze3A_358 = vector.extract %slice3A_357[0] : i32 from vector<1xi32>
      %mul3A_359 = arith.constant 16 : i32
      %mul3A_360 = arith.muli %scan3A_239, %mul3A_359 : i32
      %add3A_361 = arith.constant 8 : i32
      %add3A_362 = arith.addi %mul3A_360, %add3A_361 : i32
      %dma_start3A_363 = arith.constant 0 : i32
      %dma_start3A_364 = tpu.memref_slice %arg6[%add3A_362, %dma_start3A_363] : memref<512x64xf32, #tpu.memory_space<vmem>> -> memref<1x64xf32, #tpu.memory_space<vmem>>
      %dma_start3A_365 = arith.constant 0 : i32
      %dma_start3A_366 = tpu.memref_slice %arg2[%squeeze3A_358, %dma_start3A_365] : memref<100000x64xf32, #tpu.memory_space<hbm>> -> memref<1x64xf32, #tpu.memory_space<hbm>>
      %dma_start3A_367 = arith.constant 0 : i32
      %dma_start3A_368 = tpu.memref_slice %arg6[%add3A_362, %dma_start3A_367] : memref<512x64xf32, #tpu.memory_space<vmem>> -> memref<1x64xf32, #tpu.memory_space<vmem>>
      %dma_start3A_369 = arith.constant 0 : i32
      %dma_start3A_370 = tpu.memref_slice %arg2[%squeeze3A_358, %dma_start3A_369] : memref<100000x64xf32, #tpu.memory_space<hbm>> -> memref<1x64xf32, #tpu.memory_space<hbm>>
      tpu.enqueue_dma source(%dma_start3A_370 : memref<1x64xf32, #tpu.memory_space<hbm>>) target(%dma_start3A_368 : memref<1x64xf32, #tpu.memory_space<vmem>>) target_semaphore(%arg7 : memref<!tpu.dma_semaphore, #tpu.memory_space<semaphore_mem>>)
      %slice3A_371 = vector.extract_strided_slice %get3A_244 {offsets = [9], sizes = [1], strides = [1]} : vector<16xi32> to vector<1xi32>
      %squeeze3A_372 = vector.extract %slice3A_371[0] : i32 from vector<1xi32>
      %mul3A_373 = arith.constant 16 : i32
      %mul3A_374 = arith.muli %scan3A_239, %mul3A_373 : i32
      %add3A_375 = arith.constant 9 : i32
      %add3A_376 = arith.addi %mul3A_374, %add3A_375 : i32
      %dma_start3A_377 = arith.constant 0 : i32
      %dma_start3A_378 = tpu.memref_slice %arg6[%add3A_376, %dma_start3A_377] : memref<512x64xf32, #tpu.memory_space<vmem>> -> memref<1x64xf32, #tpu.memory_space<vmem>>
      %dma_start3A_379 = arith.constant 0 : i32
      %dma_start3A_380 = tpu.memref_slice %arg2[%squeeze3A_372, %dma_start3A_379] : memref<100000x64xf32, #tpu.memory_space<hbm>> -> memref<1x64xf32, #tpu.memory_space<hbm>>
      %dma_start3A_381 = arith.constant 0 : i32
      %dma_start3A_382 = tpu.memref_slice %arg6[%add3A_376, %dma_start3A_381] : memref<512x64xf32, #tpu.memory_space<vmem>> -> memref<1x64xf32, #tpu.memory_space<vmem>>
      %dma_start3A_383 = arith.constant 0 : i32
      %dma_start3A_384 = tpu.memref_slice %arg2[%squeeze3A_372, %dma_start3A_383] : memref<100000x64xf32, #tpu.memory_space<hbm>> -> memref<1x64xf32, #tpu.memory_space<hbm>>
      tpu.enqueue_dma source(%dma_start3A_384 : memref<1x64xf32, #tpu.memory_space<hbm>>) target(%dma_start3A_382 : memref<1x64xf32, #tpu.memory_space<vmem>>) target_semaphore(%arg7 : memref<!tpu.dma_semaphore, #tpu.memory_space<semaphore_mem>>)
      %slice3A_385 = vector.extract_strided_slice %get3A_244 {offsets = [10], sizes = [1], strides = [1]} : vector<16xi32> to vector<1xi32>
      %squeeze3A_386 = vector.extract %slice3A_385[0] : i32 from vector<1xi32>
      %mul3A_387 = arith.constant 16 : i32
      %mul3A_388 = arith.muli %scan3A_239, %mul3A_387 : i32
      %add3A_389 = arith.constant 10 : i32
      %add3A_390 = arith.addi %mul3A_388, %add3A_389 : i32
      %dma_start3A_391 = arith.constant 0 : i32
      %dma_start3A_392 = tpu.memref_slice %arg6[%add3A_390, %dma_start3A_391] : memref<512x64xf32, #tpu.memory_space<vmem>> -> memref<1x64xf32, #tpu.memory_space<vmem>>
      %dma_start3A_393 = arith.constant 0 : i32
      %dma_start3A_394 = tpu.memref_slice %arg2[%squeeze3A_386, %dma_start3A_393] : memref<100000x64xf32, #tpu.memory_space<hbm>> -> memref<1x64xf32, #tpu.memory_space<hbm>>
      %dma_start3A_395 = arith.constant 0 : i32
      %dma_start3A_396 = tpu.memref_slice %arg6[%add3A_390, %dma_start3A_395] : memref<512x64xf32, #tpu.memory_space<vmem>> -> memref<1x64xf32, #tpu.memory_space<vmem>>
      %dma_start3A_397 = arith.constant 0 : i32
      %dma_start3A_398 = tpu.memref_slice %arg2[%squeeze3A_386, %dma_start3A_397] : memref<100000x64xf32, #tpu.memory_space<hbm>> -> memref<1x64xf32, #tpu.memory_space<hbm>>
      tpu.enqueue_dma source(%dma_start3A_398 : memref<1x64xf32, #tpu.memory_space<hbm>>) target(%dma_start3A_396 : memref<1x64xf32, #tpu.memory_space<vmem>>) target_semaphore(%arg7 : memref<!tpu.dma_semaphore, #tpu.memory_space<semaphore_mem>>)
      %slice3A_399 = vector.extract_strided_slice %get3A_244 {offsets = [11], sizes = [1], strides = [1]} : vector<16xi32> to vector<1xi32>
      %squeeze3A_400 = vector.extract %slice3A_399[0] : i32 from vector<1xi32>
      %mul3A_401 = arith.constant 16 : i32
      %mul3A_402 = arith.muli %scan3A_239, %mul3A_401 : i32
      %add3A_403 = arith.constant 11 : i32
      %add3A_404 = arith.addi %mul3A_402, %add3A_403 : i32
      %dma_start3A_405 = arith.constant 0 : i32
      %dma_start3A_406 = tpu.memref_slice %arg6[%add3A_404, %dma_start3A_405] : memref<512x64xf32, #tpu.memory_space<vmem>> -> memref<1x64xf32, #tpu.memory_space<vmem>>
      %dma_start3A_407 = arith.constant 0 : i32
      %dma_start3A_408 = tpu.memref_slice %arg2[%squeeze3A_400, %dma_start3A_407] : memref<100000x64xf32, #tpu.memory_space<hbm>> -> memref<1x64xf32, #tpu.memory_space<hbm>>
      %dma_start3A_409 = arith.constant 0 : i32
      %dma_start3A_410 = tpu.memref_slice %arg6[%add3A_404, %dma_start3A_409] : memref<512x64xf32, #tpu.memory_space<vmem>> -> memref<1x64xf32, #tpu.memory_space<vmem>>
      %dma_start3A_411 = arith.constant 0 : i32
      %dma_start3A_412 = tpu.memref_slice %arg2[%squeeze3A_400, %dma_start3A_411] : memref<100000x64xf32, #tpu.memory_space<hbm>> -> memref<1x64xf32, #tpu.memory_space<hbm>>
      tpu.enqueue_dma source(%dma_start3A_412 : memref<1x64xf32, #tpu.memory_space<hbm>>) target(%dma_start3A_410 : memref<1x64xf32, #tpu.memory_space<vmem>>) target_semaphore(%arg7 : memref<!tpu.dma_semaphore, #tpu.memory_space<semaphore_mem>>)
      %slice3A_413 = vector.extract_strided_slice %get3A_244 {offsets = [12], sizes = [1], strides = [1]} : vector<16xi32> to vector<1xi32>
      %squeeze3A_414 = vector.extract %slice3A_413[0] : i32 from vector<1xi32>
      %mul3A_415 = arith.constant 16 : i32
      %mul3A_416 = arith.muli %scan3A_239, %mul3A_415 : i32
      %add3A_417 = arith.constant 12 : i32
      %add3A_418 = arith.addi %mul3A_416, %add3A_417 : i32
      %dma_start3A_419 = arith.constant 0 : i32
      %dma_start3A_420 = tpu.memref_slice %arg6[%add3A_418, %dma_start3A_419] : memref<512x64xf32, #tpu.memory_space<vmem>> -> memref<1x64xf32, #tpu.memory_space<vmem>>
      %dma_start3A_421 = arith.constant 0 : i32
      %dma_start3A_422 = tpu.memref_slice %arg2[%squeeze3A_414, %dma_start3A_421] : memref<100000x64xf32, #tpu.memory_space<hbm>> -> memref<1x64xf32, #tpu.memory_space<hbm>>
      %dma_start3A_423 = arith.constant 0 : i32
      %dma_start3A_424 = tpu.memref_slice %arg6[%add3A_418, %dma_start3A_423] : memref<512x64xf32, #tpu.memory_space<vmem>> -> memref<1x64xf32, #tpu.memory_space<vmem>>
      %dma_start3A_425 = arith.constant 0 : i32
      %dma_start3A_426 = tpu.memref_slice %arg2[%squeeze3A_414, %dma_start3A_425] : memref<100000x64xf32, #tpu.memory_space<hbm>> -> memref<1x64xf32, #tpu.memory_space<hbm>>
      tpu.enqueue_dma source(%dma_start3A_426 : memref<1x64xf32, #tpu.memory_space<hbm>>) target(%dma_start3A_424 : memref<1x64xf32, #tpu.memory_space<vmem>>) target_semaphore(%arg7 : memref<!tpu.dma_semaphore, #tpu.memory_space<semaphore_mem>>)
      %slice3A_427 = vector.extract_strided_slice %get3A_244 {offsets = [13], sizes = [1], strides = [1]} : vector<16xi32> to vector<1xi32>
      %squeeze3A_428 = vector.extract %slice3A_427[0] : i32 from vector<1xi32>
      %mul3A_429 = arith.constant 16 : i32
      %mul3A_430 = arith.muli %scan3A_239, %mul3A_429 : i32
      %add3A_431 = arith.constant 13 : i32
      %add3A_432 = arith.addi %mul3A_430, %add3A_431 : i32
      %dma_start3A_433 = arith.constant 0 : i32
      %dma_start3A_434 = tpu.memref_slice %arg6[%add3A_432, %dma_start3A_433] : memref<512x64xf32, #tpu.memory_space<vmem>> -> memref<1x64xf32, #tpu.memory_space<vmem>>
      %dma_start3A_435 = arith.constant 0 : i32
      %dma_start3A_436 = tpu.memref_slice %arg2[%squeeze3A_428, %dma_start3A_435] : memref<100000x64xf32, #tpu.memory_space<hbm>> -> memref<1x64xf32, #tpu.memory_space<hbm>>
      %dma_start3A_437 = arith.constant 0 : i32
      %dma_start3A_438 = tpu.memref_slice %arg6[%add3A_432, %dma_start3A_437] : memref<512x64xf32, #tpu.memory_space<vmem>> -> memref<1x64xf32, #tpu.memory_space<vmem>>
      %dma_start3A_439 = arith.constant 0 : i32
      %dma_start3A_440 = tpu.memref_slice %arg2[%squeeze3A_428, %dma_start3A_439] : memref<100000x64xf32, #tpu.memory_space<hbm>> -> memref<1x64xf32, #tpu.memory_space<hbm>>
      tpu.enqueue_dma source(%dma_start3A_440 : memref<1x64xf32, #tpu.memory_space<hbm>>) target(%dma_start3A_438 : memref<1x64xf32, #tpu.memory_space<vmem>>) target_semaphore(%arg7 : memref<!tpu.dma_semaphore, #tpu.memory_space<semaphore_mem>>)
      %slice3A_441 = vector.extract_strided_slice %get3A_244 {offsets = [14], sizes = [1], strides = [1]} : vector<16xi32> to vector<1xi32>
      %squeeze3A_442 = vector.extract %slice3A_441[0] : i32 from vector<1xi32>
      %mul3A_443 = arith.constant 16 : i32
      %mul3A_444 = arith.muli %scan3A_239, %mul3A_443 : i32
      %add3A_445 = arith.constant 14 : i32
      %add3A_446 = arith.addi %mul3A_444, %add3A_445 : i32
      %dma_start3A_447 = arith.constant 0 : i32
      %dma_start3A_448 = tpu.memref_slice %arg6[%add3A_446, %dma_start3A_447] : memref<512x64xf32, #tpu.memory_space<vmem>> -> memref<1x64xf32, #tpu.memory_space<vmem>>
      %dma_start3A_449 = arith.constant 0 : i32
      %dma_start3A_450 = tpu.memref_slice %arg2[%squeeze3A_442, %dma_start3A_449] : memref<100000x64xf32, #tpu.memory_space<hbm>> -> memref<1x64xf32, #tpu.memory_space<hbm>>
      %dma_start3A_451 = arith.constant 0 : i32
      %dma_start3A_452 = tpu.memref_slice %arg6[%add3A_446, %dma_start3A_451] : memref<512x64xf32, #tpu.memory_space<vmem>> -> memref<1x64xf32, #tpu.memory_space<vmem>>
      %dma_start3A_453 = arith.constant 0 : i32
      %dma_start3A_454 = tpu.memref_slice %arg2[%squeeze3A_442, %dma_start3A_453] : memref<100000x64xf32, #tpu.memory_space<hbm>> -> memref<1x64xf32, #tpu.memory_space<hbm>>
      tpu.enqueue_dma source(%dma_start3A_454 : memref<1x64xf32, #tpu.memory_space<hbm>>) target(%dma_start3A_452 : memref<1x64xf32, #tpu.memory_space<vmem>>) target_semaphore(%arg7 : memref<!tpu.dma_semaphore, #tpu.memory_space<semaphore_mem>>)
      %slice3A_455 = vector.extract_strided_slice %get3A_244 {offsets = [15], sizes = [1], strides = [1]} : vector<16xi32> to vector<1xi32>
      %squeeze3A_456 = vector.extract %slice3A_455[0] : i32 from vector<1xi32>
      %mul3A_457 = arith.constant 16 : i32
      %mul3A_458 = arith.muli %scan3A_239, %mul3A_457 : i32
      %add3A_459 = arith.constant 15 : i32
      %add3A_460 = arith.addi %mul3A_458, %add3A_459 : i32
      %dma_start3A_461 = arith.constant 0 : i32
      %dma_start3A_462 = tpu.memref_slice %arg6[%add3A_460, %dma_start3A_461] : memref<512x64xf32, #tpu.memory_space<vmem>> -> memref<1x64xf32, #tpu.memory_space<vmem>>
      %dma_start3A_463 = arith.constant 0 : i32
      %dma_start3A_464 = tpu.memref_slice %arg2[%squeeze3A_456, %dma_start3A_463] : memref<100000x64xf32, #tpu.memory_space<hbm>> -> memref<1x64xf32, #tpu.memory_space<hbm>>
      %dma_start3A_465 = arith.constant 0 : i32
      %dma_start3A_466 = tpu.memref_slice %arg6[%add3A_460, %dma_start3A_465] : memref<512x64xf32, #tpu.memory_space<vmem>> -> memref<1x64xf32, #tpu.memory_space<vmem>>
      %dma_start3A_467 = arith.constant 0 : i32
      %dma_start3A_468 = tpu.memref_slice %arg2[%squeeze3A_456, %dma_start3A_467] : memref<100000x64xf32, #tpu.memory_space<hbm>> -> memref<1x64xf32, #tpu.memory_space<hbm>>
      tpu.enqueue_dma source(%dma_start3A_468 : memref<1x64xf32, #tpu.memory_space<hbm>>) target(%dma_start3A_466 : memref<1x64xf32, #tpu.memory_space<vmem>>) target_semaphore(%arg7 : memref<!tpu.dma_semaphore, #tpu.memory_space<semaphore_mem>>)
      %scan3A_469 = arith.constant 2 : i32
      %scan3A_470 = arith.addi %scan3A_12, %scan3A_469 : i32
      %mul3A_471 = arith.constant 16 : i32
      %mul3A_472 = arith.muli %scan3A_470, %mul3A_471 : i32
      %get3A_473 = arith.index_cast %mul3A_472 : i32 to index
      %get3A_474 = tpu.vector_load %arg5[%get3A_473] {strides = array<i32>} : memref<512xi32, #tpu.memory_space<vmem>>, vector<16xi32>,
      %get3A_475 = vector.shape_cast %get3A_474 : vector<16xi32> to vector<16xi32>
      %slice3A_476 = vector.extract_strided_slice %get3A_475 {offsets = [0], sizes = [1], strides = [1]} : vector<16xi32> to vector<1xi32>
      %squeeze3A_477 = vector.extract %slice3A_476[0] : i32 from vector<1xi32>
      %mul3A_478 = arith.constant 16 : i32
      %mul3A_479 = arith.muli %scan3A_470, %mul3A_478 : i32
      %add3A_480 = arith.constant 0 : i32
      %add3A_481 = arith.addi %mul3A_479, %add3A_480 : i32
      %dma_start3A_482 = arith.constant 0 : i32
      %dma_start3A_483 = tpu.memref_slice %arg6[%add3A_481, %dma_start3A_482] : memref<512x64xf32, #tpu.memory_space<vmem>> -> memref<1x64xf32, #tpu.memory_space<vmem>>
      %dma_start3A_484 = arith.constant 0 : i32
      %dma_start3A_485 = tpu.memref_slice %arg2[%squeeze3A_477, %dma_start3A_484] : memref<100000x64xf32, #tpu.memory_space<hbm>> -> memref<1x64xf32, #tpu.memory_space<hbm>>
      %dma_start3A_486 = arith.constant 0 : i32
      %dma_start3A_487 = tpu.memref_slice %arg6[%add3A_481, %dma_start3A_486] : memref<512x64xf32, #tpu.memory_space<vmem>> -> memref<1x64xf32, #tpu.memory_space<vmem>>
      %dma_start3A_488 = arith.constant 0 : i32
      %dma_start3A_489 = tpu.memref_slice %arg2[%squeeze3A_477, %dma_start3A_488] : memref<100000x64xf32, #tpu.memory_space<hbm>> -> memref<1x64xf32, #tpu.memory_space<hbm>>
      tpu.enqueue_dma source(%dma_start3A_489 : memref<1x64xf32, #tpu.memory_space<hbm>>) target(%dma_start3A_487 : memref<1x64xf32, #tpu.memory_space<vmem>>) target_semaphore(%arg7 : memref<!tpu.dma_semaphore, #tpu.memory_space<semaphore_mem>>)
      %slice3A_490 = vector.extract_strided_slice %get3A_475 {offsets = [1], sizes = [1], strides = [1]} : vector<16xi32> to vector<1xi32>
      %squeeze3A_491 = vector.extract %slice3A_490[0] : i32 from vector<1xi32>
      %mul3A_492 = arith.constant 16 : i32
      %mul3A_493 = arith.muli %scan3A_470, %mul3A_492 : i32
      %add3A_494 = arith.constant 1 : i32
      %add3A_495 = arith.addi %mul3A_493, %add3A_494 : i32
      %dma_start3A_496 = arith.constant 0 : i32
      %dma_start3A_497 = tpu.memref_slice %arg6[%add3A_495, %dma_start3A_496] : memref<512x64xf32, #tpu.memory_space<vmem>> -> memref<1x64xf32, #tpu.memory_space<vmem>>
      %dma_start3A_498 = arith.constant 0 : i32
      %dma_start3A_499 = tpu.memref_slice %arg2[%squeeze3A_491, %dma_start3A_498] : memref<100000x64xf32, #tpu.memory_space<hbm>> -> memref<1x64xf32, #tpu.memory_space<hbm>>
      %dma_start3A_500 = arith.constant 0 : i32
      %dma_start3A_501 = tpu.memref_slice %arg6[%add3A_495, %dma_start3A_500] : memref<512x64xf32, #tpu.memory_space<vmem>> -> memref<1x64xf32, #tpu.memory_space<vmem>>
      %dma_start3A_502 = arith.constant 0 : i32
      %dma_start3A_503 = tpu.memref_slice %arg2[%squeeze3A_491, %dma_start3A_502] : memref<100000x64xf32, #tpu.memory_space<hbm>> -> memref<1x64xf32, #tpu.memory_space<hbm>>
      tpu.enqueue_dma source(%dma_start3A_503 : memref<1x64xf32, #tpu.memory_space<hbm>>) target(%dma_start3A_501 : memref<1x64xf32, #tpu.memory_space<vmem>>) target_semaphore(%arg7 : memref<!tpu.dma_semaphore, #tpu.memory_space<semaphore_mem>>)
      %slice3A_504 = vector.extract_strided_slice %get3A_475 {offsets = [2], sizes = [1], strides = [1]} : vector<16xi32> to vector<1xi32>
      %squeeze3A_505 = vector.extract %slice3A_504[0] : i32 from vector<1xi32>
      %mul3A_506 = arith.constant 16 : i32
      %mul3A_507 = arith.muli %scan3A_470, %mul3A_506 : i32
      %add3A_508 = arith.constant 2 : i32
      %add3A_509 = arith.addi %mul3A_507, %add3A_508 : i32
      %dma_start3A_510 = arith.constant 0 : i32
      %dma_start3A_511 = tpu.memref_slice %arg6[%add3A_509, %dma_start3A_510] : memref<512x64xf32, #tpu.memory_space<vmem>> -> memref<1x64xf32, #tpu.memory_space<vmem>>
      %dma_start3A_512 = arith.constant 0 : i32
      %dma_start3A_513 = tpu.memref_slice %arg2[%squeeze3A_505, %dma_start3A_512] : memref<100000x64xf32, #tpu.memory_space<hbm>> -> memref<1x64xf32, #tpu.memory_space<hbm>>
      %dma_start3A_514 = arith.constant 0 : i32
      %dma_start3A_515 = tpu.memref_slice %arg6[%add3A_509, %dma_start3A_514] : memref<512x64xf32, #tpu.memory_space<vmem>> -> memref<1x64xf32, #tpu.memory_space<vmem>>
      %dma_start3A_516 = arith.constant 0 : i32
      %dma_start3A_517 = tpu.memref_slice %arg2[%squeeze3A_505, %dma_start3A_516] : memref<100000x64xf32, #tpu.memory_space<hbm>> -> memref<1x64xf32, #tpu.memory_space<hbm>>
      tpu.enqueue_dma source(%dma_start3A_517 : memref<1x64xf32, #tpu.memory_space<hbm>>) target(%dma_start3A_515 : memref<1x64xf32, #tpu.memory_space<vmem>>) target_semaphore(%arg7 : memref<!tpu.dma_semaphore, #tpu.memory_space<semaphore_mem>>)
      %slice3A_518 = vector.extract_strided_slice %get3A_475 {offsets = [3], sizes = [1], strides = [1]} : vector<16xi32> to vector<1xi32>
      %squeeze3A_519 = vector.extract %slice3A_518[0] : i32 from vector<1xi32>
      %mul3A_520 = arith.constant 16 : i32
      %mul3A_521 = arith.muli %scan3A_470, %mul3A_520 : i32
      %add3A_522 = arith.constant 3 : i32
      %add3A_523 = arith.addi %mul3A_521, %add3A_522 : i32
      %dma_start3A_524 = arith.constant 0 : i32
      %dma_start3A_525 = tpu.memref_slice %arg6[%add3A_523, %dma_start3A_524] : memref<512x64xf32, #tpu.memory_space<vmem>> -> memref<1x64xf32, #tpu.memory_space<vmem>>
      %dma_start3A_526 = arith.constant 0 : i32
      %dma_start3A_527 = tpu.memref_slice %arg2[%squeeze3A_519, %dma_start3A_526] : memref<100000x64xf32, #tpu.memory_space<hbm>> -> memref<1x64xf32, #tpu.memory_space<hbm>>
      %dma_start3A_528 = arith.constant 0 : i32
      %dma_start3A_529 = tpu.memref_slice %arg6[%add3A_523, %dma_start3A_528] : memref<512x64xf32, #tpu.memory_space<vmem>> -> memref<1x64xf32, #tpu.memory_space<vmem>>
      %dma_start3A_530 = arith.constant 0 : i32
      %dma_start3A_531 = tpu.memref_slice %arg2[%squeeze3A_519, %dma_start3A_530] : memref<100000x64xf32, #tpu.memory_space<hbm>> -> memref<1x64xf32, #tpu.memory_space<hbm>>
      tpu.enqueue_dma source(%dma_start3A_531 : memref<1x64xf32, #tpu.memory_space<hbm>>) target(%dma_start3A_529 : memref<1x64xf32, #tpu.memory_space<vmem>>) target_semaphore(%arg7 : memref<!tpu.dma_semaphore, #tpu.memory_space<semaphore_mem>>)
      %slice3A_532 = vector.extract_strided_slice %get3A_475 {offsets = [4], sizes = [1], strides = [1]} : vector<16xi32> to vector<1xi32>
      %squeeze3A_533 = vector.extract %slice3A_532[0] : i32 from vector<1xi32>
      %mul3A_534 = arith.constant 16 : i32
      %mul3A_535 = arith.muli %scan3A_470, %mul3A_534 : i32
      %add3A_536 = arith.constant 4 : i32
      %add3A_537 = arith.addi %mul3A_535, %add3A_536 : i32
      %dma_start3A_538 = arith.constant 0 : i32
      %dma_start3A_539 = tpu.memref_slice %arg6[%add3A_537, %dma_start3A_538] : memref<512x64xf32, #tpu.memory_space<vmem>> -> memref<1x64xf32, #tpu.memory_space<vmem>>
      %dma_start3A_540 = arith.constant 0 : i32
      %dma_start3A_541 = tpu.memref_slice %arg2[%squeeze3A_533, %dma_start3A_540] : memref<100000x64xf32, #tpu.memory_space<hbm>> -> memref<1x64xf32, #tpu.memory_space<hbm>>
      %dma_start3A_542 = arith.constant 0 : i32
      %dma_start3A_543 = tpu.memref_slice %arg6[%add3A_537, %dma_start3A_542] : memref<512x64xf32, #tpu.memory_space<vmem>> -> memref<1x64xf32, #tpu.memory_space<vmem>>
      %dma_start3A_544 = arith.constant 0 : i32
      %dma_start3A_545 = tpu.memref_slice %arg2[%squeeze3A_533, %dma_start3A_544] : memref<100000x64xf32, #tpu.memory_space<hbm>> -> memref<1x64xf32, #tpu.memory_space<hbm>>
      tpu.enqueue_dma source(%dma_start3A_545 : memref<1x64xf32, #tpu.memory_space<hbm>>) target(%dma_start3A_543 : memref<1x64xf32, #tpu.memory_space<vmem>>) target_semaphore(%arg7 : memref<!tpu.dma_semaphore, #tpu.memory_space<semaphore_mem>>)
      %slice3A_546 = vector.extract_strided_slice %get3A_475 {offsets = [5], sizes = [1], strides = [1]} : vector<16xi32> to vector<1xi32>
      %squeeze3A_547 = vector.extract %slice3A_546[0] : i32 from vector<1xi32>
      %mul3A_548 = arith.constant 16 : i32
      %mul3A_549 = arith.muli %scan3A_470, %mul3A_548 : i32
      %add3A_550 = arith.constant 5 : i32
      %add3A_551 = arith.addi %mul3A_549, %add3A_550 : i32
      %dma_start3A_552 = arith.constant 0 : i32
      %dma_start3A_553 = tpu.memref_slice %arg6[%add3A_551, %dma_start3A_552] : memref<512x64xf32, #tpu.memory_space<vmem>> -> memref<1x64xf32, #tpu.memory_space<vmem>>
      %dma_start3A_554 = arith.constant 0 : i32
      %dma_start3A_555 = tpu.memref_slice %arg2[%squeeze3A_547, %dma_start3A_554] : memref<100000x64xf32, #tpu.memory_space<hbm>> -> memref<1x64xf32, #tpu.memory_space<hbm>>
      %dma_start3A_556 = arith.constant 0 : i32
      %dma_start3A_557 = tpu.memref_slice %arg6[%add3A_551, %dma_start3A_556] : memref<512x64xf32, #tpu.memory_space<vmem>> -> memref<1x64xf32, #tpu.memory_space<vmem>>
      %dma_start3A_558 = arith.constant 0 : i32
      %dma_start3A_559 = tpu.memref_slice %arg2[%squeeze3A_547, %dma_start3A_558] : memref<100000x64xf32, #tpu.memory_space<hbm>> -> memref<1x64xf32, #tpu.memory_space<hbm>>
      tpu.enqueue_dma source(%dma_start3A_559 : memref<1x64xf32, #tpu.memory_space<hbm>>) target(%dma_start3A_557 : memref<1x64xf32, #tpu.memory_space<vmem>>) target_semaphore(%arg7 : memref<!tpu.dma_semaphore, #tpu.memory_space<semaphore_mem>>)
      %slice3A_560 = vector.extract_strided_slice %get3A_475 {offsets = [6], sizes = [1], strides = [1]} : vector<16xi32> to vector<1xi32>
      %squeeze3A_561 = vector.extract %slice3A_560[0] : i32 from vector<1xi32>
      %mul3A_562 = arith.constant 16 : i32
      %mul3A_563 = arith.muli %scan3A_470, %mul3A_562 : i32
      %add3A_564 = arith.constant 6 : i32
      %add3A_565 = arith.addi %mul3A_563, %add3A_564 : i32
      %dma_start3A_566 = arith.constant 0 : i32
      %dma_start3A_567 = tpu.memref_slice %arg6[%add3A_565, %dma_start3A_566] : memref<512x64xf32, #tpu.memory_space<vmem>> -> memref<1x64xf32, #tpu.memory_space<vmem>>
      %dma_start3A_568 = arith.constant 0 : i32
      %dma_start3A_569 = tpu.memref_slice %arg2[%squeeze3A_561, %dma_start3A_568] : memref<100000x64xf32, #tpu.memory_space<hbm>> -> memref<1x64xf32, #tpu.memory_space<hbm>>
      %dma_start3A_570 = arith.constant 0 : i32
      %dma_start3A_571 = tpu.memref_slice %arg6[%add3A_565, %dma_start3A_570] : memref<512x64xf32, #tpu.memory_space<vmem>> -> memref<1x64xf32, #tpu.memory_space<vmem>>
      %dma_start3A_572 = arith.constant 0 : i32
      %dma_start3A_573 = tpu.memref_slice %arg2[%squeeze3A_561, %dma_start3A_572] : memref<100000x64xf32, #tpu.memory_space<hbm>> -> memref<1x64xf32, #tpu.memory_space<hbm>>
      tpu.enqueue_dma source(%dma_start3A_573 : memref<1x64xf32, #tpu.memory_space<hbm>>) target(%dma_start3A_571 : memref<1x64xf32, #tpu.memory_space<vmem>>) target_semaphore(%arg7 : memref<!tpu.dma_semaphore, #tpu.memory_space<semaphore_mem>>)
      %slice3A_574 = vector.extract_strided_slice %get3A_475 {offsets = [7], sizes = [1], strides = [1]} : vector<16xi32> to vector<1xi32>
      %squeeze3A_575 = vector.extract %slice3A_574[0] : i32 from vector<1xi32>
      %mul3A_576 = arith.constant 16 : i32
      %mul3A_577 = arith.muli %scan3A_470, %mul3A_576 : i32
      %add3A_578 = arith.constant 7 : i32
      %add3A_579 = arith.addi %mul3A_577, %add3A_578 : i32
      %dma_start3A_580 = arith.constant 0 : i32
      %dma_start3A_581 = tpu.memref_slice %arg6[%add3A_579, %dma_start3A_580] : memref<512x64xf32, #tpu.memory_space<vmem>> -> memref<1x64xf32, #tpu.memory_space<vmem>>
      %dma_start3A_582 = arith.constant 0 : i32
      %dma_start3A_583 = tpu.memref_slice %arg2[%squeeze3A_575, %dma_start3A_582] : memref<100000x64xf32, #tpu.memory_space<hbm>> -> memref<1x64xf32, #tpu.memory_space<hbm>>
      %dma_start3A_584 = arith.constant 0 : i32
      %dma_start3A_585 = tpu.memref_slice %arg6[%add3A_579, %dma_start3A_584] : memref<512x64xf32, #tpu.memory_space<vmem>> -> memref<1x64xf32, #tpu.memory_space<vmem>>
      %dma_start3A_586 = arith.constant 0 : i32
      %dma_start3A_587 = tpu.memref_slice %arg2[%squeeze3A_575, %dma_start3A_586] : memref<100000x64xf32, #tpu.memory_space<hbm>> -> memref<1x64xf32, #tpu.memory_space<hbm>>
      tpu.enqueue_dma source(%dma_start3A_587 : memref<1x64xf32, #tpu.memory_space<hbm>>) target(%dma_start3A_585 : memref<1x64xf32, #tpu.memory_space<vmem>>) target_semaphore(%arg7 : memref<!tpu.dma_semaphore, #tpu.memory_space<semaphore_mem>>)
      %slice3A_588 = vector.extract_strided_slice %get3A_475 {offsets = [8], sizes = [1], strides = [1]} : vector<16xi32> to vector<1xi32>
      %squeeze3A_589 = vector.extract %slice3A_588[0] : i32 from vector<1xi32>
      %mul3A_590 = arith.constant 16 : i32
      %mul3A_591 = arith.muli %scan3A_470, %mul3A_590 : i32
      %add3A_592 = arith.constant 8 : i32
      %add3A_593 = arith.addi %mul3A_591, %add3A_592 : i32
      %dma_start3A_594 = arith.constant 0 : i32
      %dma_start3A_595 = tpu.memref_slice %arg6[%add3A_593, %dma_start3A_594] : memref<512x64xf32, #tpu.memory_space<vmem>> -> memref<1x64xf32, #tpu.memory_space<vmem>>
      %dma_start3A_596 = arith.constant 0 : i32
      %dma_start3A_597 = tpu.memref_slice %arg2[%squeeze3A_589, %dma_start3A_596] : memref<100000x64xf32, #tpu.memory_space<hbm>> -> memref<1x64xf32, #tpu.memory_space<hbm>>
      %dma_start3A_598 = arith.constant 0 : i32
      %dma_start3A_599 = tpu.memref_slice %arg6[%add3A_593, %dma_start3A_598] : memref<512x64xf32, #tpu.memory_space<vmem>> -> memref<1x64xf32, #tpu.memory_space<vmem>>
      %dma_start3A_600 = arith.constant 0 : i32
      %dma_start3A_601 = tpu.memref_slice %arg2[%squeeze3A_589, %dma_start3A_600] : memref<100000x64xf32, #tpu.memory_space<hbm>> -> memref<1x64xf32, #tpu.memory_space<hbm>>
      tpu.enqueue_dma source(%dma_start3A_601 : memref<1x64xf32, #tpu.memory_space<hbm>>) target(%dma_start3A_599 : memref<1x64xf32, #tpu.memory_space<vmem>>) target_semaphore(%arg7 : memref<!tpu.dma_semaphore, #tpu.memory_space<semaphore_mem>>)
      %slice3A_602 = vector.extract_strided_slice %get3A_475 {offsets = [9], sizes = [1], strides = [1]} : vector<16xi32> to vector<1xi32>
      %squeeze3A_603 = vector.extract %slice3A_602[0] : i32 from vector<1xi32>
      %mul3A_604 = arith.constant 16 : i32
      %mul3A_605 = arith.muli %scan3A_470, %mul3A_604 : i32
      %add3A_606 = arith.constant 9 : i32
      %add3A_607 = arith.addi %mul3A_605, %add3A_606 : i32
      %dma_start3A_608 = arith.constant 0 : i32
      %dma_start3A_609 = tpu.memref_slice %arg6[%add3A_607, %dma_start3A_608] : memref<512x64xf32, #tpu.memory_space<vmem>> -> memref<1x64xf32, #tpu.memory_space<vmem>>
      %dma_start3A_610 = arith.constant 0 : i32
      %dma_start3A_611 = tpu.memref_slice %arg2[%squeeze3A_603, %dma_start3A_610] : memref<100000x64xf32, #tpu.memory_space<hbm>> -> memref<1x64xf32, #tpu.memory_space<hbm>>
      %dma_start3A_612 = arith.constant 0 : i32
      %dma_start3A_613 = tpu.memref_slice %arg6[%add3A_607, %dma_start3A_612] : memref<512x64xf32, #tpu.memory_space<vmem>> -> memref<1x64xf32, #tpu.memory_space<vmem>>
      %dma_start3A_614 = arith.constant 0 : i32
      %dma_start3A_615 = tpu.memref_slice %arg2[%squeeze3A_603, %dma_start3A_614] : memref<100000x64xf32, #tpu.memory_space<hbm>> -> memref<1x64xf32, #tpu.memory_space<hbm>>
      tpu.enqueue_dma source(%dma_start3A_615 : memref<1x64xf32, #tpu.memory_space<hbm>>) target(%dma_start3A_613 : memref<1x64xf32, #tpu.memory_space<vmem>>) target_semaphore(%arg7 : memref<!tpu.dma_semaphore, #tpu.memory_space<semaphore_mem>>)
      %slice3A_616 = vector.extract_strided_slice %get3A_475 {offsets = [10], sizes = [1], strides = [1]} : vector<16xi32> to vector<1xi32>
      %squeeze3A_617 = vector.extract %slice3A_616[0] : i32 from vector<1xi32>
      %mul3A_618 = arith.constant 16 : i32
      %mul3A_619 = arith.muli %scan3A_470, %mul3A_618 : i32
      %add3A_620 = arith.constant 10 : i32
      %add3A_621 = arith.addi %mul3A_619, %add3A_620 : i32
      %dma_start3A_622 = arith.constant 0 : i32
      %dma_start3A_623 = tpu.memref_slice %arg6[%add3A_621, %dma_start3A_622] : memref<512x64xf32, #tpu.memory_space<vmem>> -> memref<1x64xf32, #tpu.memory_space<vmem>>
      %dma_start3A_624 = arith.constant 0 : i32
      %dma_start3A_625 = tpu.memref_slice %arg2[%squeeze3A_617, %dma_start3A_624] : memref<100000x64xf32, #tpu.memory_space<hbm>> -> memref<1x64xf32, #tpu.memory_space<hbm>>
      %dma_start3A_626 = arith.constant 0 : i32
      %dma_start3A_627 = tpu.memref_slice %arg6[%add3A_621, %dma_start3A_626] : memref<512x64xf32, #tpu.memory_space<vmem>> -> memref<1x64xf32, #tpu.memory_space<vmem>>
      %dma_start3A_628 = arith.constant 0 : i32
      %dma_start3A_629 = tpu.memref_slice %arg2[%squeeze3A_617, %dma_start3A_628] : memref<100000x64xf32, #tpu.memory_space<hbm>> -> memref<1x64xf32, #tpu.memory_space<hbm>>
      tpu.enqueue_dma source(%dma_start3A_629 : memref<1x64xf32, #tpu.memory_space<hbm>>) target(%dma_start3A_627 : memref<1x64xf32, #tpu.memory_space<vmem>>) target_semaphore(%arg7 : memref<!tpu.dma_semaphore, #tpu.memory_space<semaphore_mem>>)
      %slice3A_630 = vector.extract_strided_slice %get3A_475 {offsets = [11], sizes = [1], strides = [1]} : vector<16xi32> to vector<1xi32>
      %squeeze3A_631 = vector.extract %slice3A_630[0] : i32 from vector<1xi32>
      %mul3A_632 = arith.constant 16 : i32
      %mul3A_633 = arith.muli %scan3A_470, %mul3A_632 : i32
      %add3A_634 = arith.constant 11 : i32
      %add3A_635 = arith.addi %mul3A_633, %add3A_634 : i32
      %dma_start3A_636 = arith.constant 0 : i32
      %dma_start3A_637 = tpu.memref_slice %arg6[%add3A_635, %dma_start3A_636] : memref<512x64xf32, #tpu.memory_space<vmem>> -> memref<1x64xf32, #tpu.memory_space<vmem>>
      %dma_start3A_638 = arith.constant 0 : i32
      %dma_start3A_639 = tpu.memref_slice %arg2[%squeeze3A_631, %dma_start3A_638] : memref<100000x64xf32, #tpu.memory_space<hbm>> -> memref<1x64xf32, #tpu.memory_space<hbm>>
      %dma_start3A_640 = arith.constant 0 : i32
      %dma_start3A_641 = tpu.memref_slice %arg6[%add3A_635, %dma_start3A_640] : memref<512x64xf32, #tpu.memory_space<vmem>> -> memref<1x64xf32, #tpu.memory_space<vmem>>
      %dma_start3A_642 = arith.constant 0 : i32
      %dma_start3A_643 = tpu.memref_slice %arg2[%squeeze3A_631, %dma_start3A_642] : memref<100000x64xf32, #tpu.memory_space<hbm>> -> memref<1x64xf32, #tpu.memory_space<hbm>>
      tpu.enqueue_dma source(%dma_start3A_643 : memref<1x64xf32, #tpu.memory_space<hbm>>) target(%dma_start3A_641 : memref<1x64xf32, #tpu.memory_space<vmem>>) target_semaphore(%arg7 : memref<!tpu.dma_semaphore, #tpu.memory_space<semaphore_mem>>)
      %slice3A_644 = vector.extract_strided_slice %get3A_475 {offsets = [12], sizes = [1], strides = [1]} : vector<16xi32> to vector<1xi32>
      %squeeze3A_645 = vector.extract %slice3A_644[0] : i32 from vector<1xi32>
      %mul3A_646 = arith.constant 16 : i32
      %mul3A_647 = arith.muli %scan3A_470, %mul3A_646 : i32
      %add3A_648 = arith.constant 12 : i32
      %add3A_649 = arith.addi %mul3A_647, %add3A_648 : i32
      %dma_start3A_650 = arith.constant 0 : i32
      %dma_start3A_651 = tpu.memref_slice %arg6[%add3A_649, %dma_start3A_650] : memref<512x64xf32, #tpu.memory_space<vmem>> -> memref<1x64xf32, #tpu.memory_space<vmem>>
      %dma_start3A_652 = arith.constant 0 : i32
      %dma_start3A_653 = tpu.memref_slice %arg2[%squeeze3A_645, %dma_start3A_652] : memref<100000x64xf32, #tpu.memory_space<hbm>> -> memref<1x64xf32, #tpu.memory_space<hbm>>
      %dma_start3A_654 = arith.constant 0 : i32
      %dma_start3A_655 = tpu.memref_slice %arg6[%add3A_649, %dma_start3A_654] : memref<512x64xf32, #tpu.memory_space<vmem>> -> memref<1x64xf32, #tpu.memory_space<vmem>>
      %dma_start3A_656 = arith.constant 0 : i32
      %dma_start3A_657 = tpu.memref_slice %arg2[%squeeze3A_645, %dma_start3A_656] : memref<100000x64xf32, #tpu.memory_space<hbm>> -> memref<1x64xf32, #tpu.memory_space<hbm>>
      tpu.enqueue_dma source(%dma_start3A_657 : memref<1x64xf32, #tpu.memory_space<hbm>>) target(%dma_start3A_655 : memref<1x64xf32, #tpu.memory_space<vmem>>) target_semaphore(%arg7 : memref<!tpu.dma_semaphore, #tpu.memory_space<semaphore_mem>>)
      %slice3A_658 = vector.extract_strided_slice %get3A_475 {offsets = [13], sizes = [1], strides = [1]} : vector<16xi32> to vector<1xi32>
      %squeeze3A_659 = vector.extract %slice3A_658[0] : i32 from vector<1xi32>
      %mul3A_660 = arith.constant 16 : i32
      %mul3A_661 = arith.muli %scan3A_470, %mul3A_660 : i32
      %add3A_662 = arith.constant 13 : i32
      %add3A_663 = arith.addi %mul3A_661, %add3A_662 : i32
      %dma_start3A_664 = arith.constant 0 : i32
      %dma_start3A_665 = tpu.memref_slice %arg6[%add3A_663, %dma_start3A_664] : memref<512x64xf32, #tpu.memory_space<vmem>> -> memref<1x64xf32, #tpu.memory_space<vmem>>
      %dma_start3A_666 = arith.constant 0 : i32
      %dma_start3A_667 = tpu.memref_slice %arg2[%squeeze3A_659, %dma_start3A_666] : memref<100000x64xf32, #tpu.memory_space<hbm>> -> memref<1x64xf32, #tpu.memory_space<hbm>>
      %dma_start3A_668 = arith.constant 0 : i32
      %dma_start3A_669 = tpu.memref_slice %arg6[%add3A_663, %dma_start3A_668] : memref<512x64xf32, #tpu.memory_space<vmem>> -> memref<1x64xf32, #tpu.memory_space<vmem>>
      %dma_start3A_670 = arith.constant 0 : i32
      %dma_start3A_671 = tpu.memref_slice %arg2[%squeeze3A_659, %dma_start3A_670] : memref<100000x64xf32, #tpu.memory_space<hbm>> -> memref<1x64xf32, #tpu.memory_space<hbm>>
      tpu.enqueue_dma source(%dma_start3A_671 : memref<1x64xf32, #tpu.memory_space<hbm>>) target(%dma_start3A_669 : memref<1x64xf32, #tpu.memory_space<vmem>>) target_semaphore(%arg7 : memref<!tpu.dma_semaphore, #tpu.memory_space<semaphore_mem>>)
      %slice3A_672 = vector.extract_strided_slice %get3A_475 {offsets = [14], sizes = [1], strides = [1]} : vector<16xi32> to vector<1xi32>
      %squeeze3A_673 = vector.extract %slice3A_672[0] : i32 from vector<1xi32>
      %mul3A_674 = arith.constant 16 : i32
      %mul3A_675 = arith.muli %scan3A_470, %mul3A_674 : i32
      %add3A_676 = arith.constant 14 : i32
      %add3A_677 = arith.addi %mul3A_675, %add3A_676 : i32
      %dma_start3A_678 = arith.constant 0 : i32
      %dma_start3A_679 = tpu.memref_slice %arg6[%add3A_677, %dma_start3A_678] : memref<512x64xf32, #tpu.memory_space<vmem>> -> memref<1x64xf32, #tpu.memory_space<vmem>>
      %dma_start3A_680 = arith.constant 0 : i32
      %dma_start3A_681 = tpu.memref_slice %arg2[%squeeze3A_673, %dma_start3A_680] : memref<100000x64xf32, #tpu.memory_space<hbm>> -> memref<1x64xf32, #tpu.memory_space<hbm>>
      %dma_start3A_682 = arith.constant 0 : i32
      %dma_start3A_683 = tpu.memref_slice %arg6[%add3A_677, %dma_start3A_682] : memref<512x64xf32, #tpu.memory_space<vmem>> -> memref<1x64xf32, #tpu.memory_space<vmem>>
      %dma_start3A_684 = arith.constant 0 : i32
      %dma_start3A_685 = tpu.memref_slice %arg2[%squeeze3A_673, %dma_start3A_684] : memref<100000x64xf32, #tpu.memory_space<hbm>> -> memref<1x64xf32, #tpu.memory_space<hbm>>
      tpu.enqueue_dma source(%dma_start3A_685 : memref<1x64xf32, #tpu.memory_space<hbm>>) target(%dma_start3A_683 : memref<1x64xf32, #tpu.memory_space<vmem>>) target_semaphore(%arg7 : memref<!tpu.dma_semaphore, #tpu.memory_space<semaphore_mem>>)
      %slice3A_686 = vector.extract_strided_slice %get3A_475 {offsets = [15], sizes = [1], strides = [1]} : vector<16xi32> to vector<1xi32>
      %squeeze3A_687 = vector.extract %slice3A_686[0] : i32 from vector<1xi32>
      %mul3A_688 = arith.constant 16 : i32
      %mul3A_689 = arith.muli %scan3A_470, %mul3A_688 : i32
      %add3A_690 = arith.constant 15 : i32
      %add3A_691 = arith.addi %mul3A_689, %add3A_690 : i32
      %dma_start3A_692 = arith.constant 0 : i32
      %dma_start3A_693 = tpu.memref_slice %arg6[%add3A_691, %dma_start3A_692] : memref<512x64xf32, #tpu.memory_space<vmem>> -> memref<1x64xf32, #tpu.memory_space<vmem>>
      %dma_start3A_694 = arith.constant 0 : i32
      %dma_start3A_695 = tpu.memref_slice %arg2[%squeeze3A_687, %dma_start3A_694] : memref<100000x64xf32, #tpu.memory_space<hbm>> -> memref<1x64xf32, #tpu.memory_space<hbm>>
      %dma_start3A_696 = arith.constant 0 : i32
      %dma_start3A_697 = tpu.memref_slice %arg6[%add3A_691, %dma_start3A_696] : memref<512x64xf32, #tpu.memory_space<vmem>> -> memref<1x64xf32, #tpu.memory_space<vmem>>
      %dma_start3A_698 = arith.constant 0 : i32
      %dma_start3A_699 = tpu.memref_slice %arg2[%squeeze3A_687, %dma_start3A_698] : memref<100000x64xf32, #tpu.memory_space<hbm>> -> memref<1x64xf32, #tpu.memory_space<hbm>>
      tpu.enqueue_dma source(%dma_start3A_699 : memref<1x64xf32, #tpu.memory_space<hbm>>) target(%dma_start3A_697 : memref<1x64xf32, #tpu.memory_space<vmem>>) target_semaphore(%arg7 : memref<!tpu.dma_semaphore, #tpu.memory_space<semaphore_mem>>)
      %scan3A_700 = arith.constant 3 : i32
      %scan3A_701 = arith.addi %scan3A_12, %scan3A_700 : i32
      %mul3A_702 = arith.constant 16 : i32
      %mul3A_703 = arith.muli %scan3A_701, %mul3A_702 : i32
      %get3A_704 = arith.index_cast %mul3A_703 : i32 to index
      %get3A_705 = tpu.vector_load %arg5[%get3A_704] {strides = array<i32>} : memref<512xi32, #tpu.memory_space<vmem>>, vector<16xi32>,
      %get3A_706 = vector.shape_cast %get3A_705 : vector<16xi32> to vector<16xi32>
      %slice3A_707 = vector.extract_strided_slice %get3A_706 {offsets = [0], sizes = [1], strides = [1]} : vector<16xi32> to vector<1xi32>
      %squeeze3A_708 = vector.extract %slice3A_707[0] : i32 from vector<1xi32>
      %mul3A_709 = arith.constant 16 : i32
      %mul3A_710 = arith.muli %scan3A_701, %mul3A_709 : i32
      %add3A_711 = arith.constant 0 : i32
      %add3A_712 = arith.addi %mul3A_710, %add3A_711 : i32
      %dma_start3A_713 = arith.constant 0 : i32
      %dma_start3A_714 = tpu.memref_slice %arg6[%add3A_712, %dma_start3A_713] : memref<512x64xf32, #tpu.memory_space<vmem>> -> memref<1x64xf32, #tpu.memory_space<vmem>>
      %dma_start3A_715 = arith.constant 0 : i32
      %dma_start3A_716 = tpu.memref_slice %arg2[%squeeze3A_708, %dma_start3A_715] : memref<100000x64xf32, #tpu.memory_space<hbm>> -> memref<1x64xf32, #tpu.memory_space<hbm>>
      %dma_start3A_717 = arith.constant 0 : i32
      %dma_start3A_718 = tpu.memref_slice %arg6[%add3A_712, %dma_start3A_717] : memref<512x64xf32, #tpu.memory_space<vmem>> -> memref<1x64xf32, #tpu.memory_space<vmem>>
      %dma_start3A_719 = arith.constant 0 : i32
      %dma_start3A_720 = tpu.memref_slice %arg2[%squeeze3A_708, %dma_start3A_719] : memref<100000x64xf32, #tpu.memory_space<hbm>> -> memref<1x64xf32, #tpu.memory_space<hbm>>
      tpu.enqueue_dma source(%dma_start3A_720 : memref<1x64xf32, #tpu.memory_space<hbm>>) target(%dma_start3A_718 : memref<1x64xf32, #tpu.memory_space<vmem>>) target_semaphore(%arg7 : memref<!tpu.dma_semaphore, #tpu.memory_space<semaphore_mem>>)
      %slice3A_721 = vector.extract_strided_slice %get3A_706 {offsets = [1], sizes = [1], strides = [1]} : vector<16xi32> to vector<1xi32>
      %squeeze3A_722 = vector.extract %slice3A_721[0] : i32 from vector<1xi32>
      %mul3A_723 = arith.constant 16 : i32
      %mul3A_724 = arith.muli %scan3A_701, %mul3A_723 : i32
      %add3A_725 = arith.constant 1 : i32
      %add3A_726 = arith.addi %mul3A_724, %add3A_725 : i32
      %dma_start3A_727 = arith.constant 0 : i32
      %dma_start3A_728 = tpu.memref_slice %arg6[%add3A_726, %dma_start3A_727] : memref<512x64xf32, #tpu.memory_space<vmem>> -> memref<1x64xf32, #tpu.memory_space<vmem>>
      %dma_start3A_729 = arith.constant 0 : i32
      %dma_start3A_730 = tpu.memref_slice %arg2[%squeeze3A_722, %dma_start3A_729] : memref<100000x64xf32, #tpu.memory_space<hbm>> -> memref<1x64xf32, #tpu.memory_space<hbm>>
      %dma_start3A_731 = arith.constant 0 : i32
      %dma_start3A_732 = tpu.memref_slice %arg6[%add3A_726, %dma_start3A_731] : memref<512x64xf32, #tpu.memory_space<vmem>> -> memref<1x64xf32, #tpu.memory_space<vmem>>
      %dma_start3A_733 = arith.constant 0 : i32
      %dma_start3A_734 = tpu.memref_slice %arg2[%squeeze3A_722, %dma_start3A_733] : memref<100000x64xf32, #tpu.memory_space<hbm>> -> memref<1x64xf32, #tpu.memory_space<hbm>>
      tpu.enqueue_dma source(%dma_start3A_734 : memref<1x64xf32, #tpu.memory_space<hbm>>) target(%dma_start3A_732 : memref<1x64xf32, #tpu.memory_space<vmem>>) target_semaphore(%arg7 : memref<!tpu.dma_semaphore, #tpu.memory_space<semaphore_mem>>)
      %slice3A_735 = vector.extract_strided_slice %get3A_706 {offsets = [2], sizes = [1], strides = [1]} : vector<16xi32> to vector<1xi32>
      %squeeze3A_736 = vector.extract %slice3A_735[0] : i32 from vector<1xi32>
      %mul3A_737 = arith.constant 16 : i32
      %mul3A_738 = arith.muli %scan3A_701, %mul3A_737 : i32
      %add3A_739 = arith.constant 2 : i32
      %add3A_740 = arith.addi %mul3A_738, %add3A_739 : i32
      %dma_start3A_741 = arith.constant 0 : i32
      %dma_start3A_742 = tpu.memref_slice %arg6[%add3A_740, %dma_start3A_741] : memref<512x64xf32, #tpu.memory_space<vmem>> -> memref<1x64xf32, #tpu.memory_space<vmem>>
      %dma_start3A_743 = arith.constant 0 : i32
      %dma_start3A_744 = tpu.memref_slice %arg2[%squeeze3A_736, %dma_start3A_743] : memref<100000x64xf32, #tpu.memory_space<hbm>> -> memref<1x64xf32, #tpu.memory_space<hbm>>
      %dma_start3A_745 = arith.constant 0 : i32
      %dma_start3A_746 = tpu.memref_slice %arg6[%add3A_740, %dma_start3A_745] : memref<512x64xf32, #tpu.memory_space<vmem>> -> memref<1x64xf32, #tpu.memory_space<vmem>>
      %dma_start3A_747 = arith.constant 0 : i32
      %dma_start3A_748 = tpu.memref_slice %arg2[%squeeze3A_736, %dma_start3A_747] : memref<100000x64xf32, #tpu.memory_space<hbm>> -> memref<1x64xf32, #tpu.memory_space<hbm>>
      tpu.enqueue_dma source(%dma_start3A_748 : memref<1x64xf32, #tpu.memory_space<hbm>>) target(%dma_start3A_746 : memref<1x64xf32, #tpu.memory_space<vmem>>) target_semaphore(%arg7 : memref<!tpu.dma_semaphore, #tpu.memory_space<semaphore_mem>>)
      %slice3A_749 = vector.extract_strided_slice %get3A_706 {offsets = [3], sizes = [1], strides = [1]} : vector<16xi32> to vector<1xi32>
      %squeeze3A_750 = vector.extract %slice3A_749[0] : i32 from vector<1xi32>
      %mul3A_751 = arith.constant 16 : i32
      %mul3A_752 = arith.muli %scan3A_701, %mul3A_751 : i32
      %add3A_753 = arith.constant 3 : i32
      %add3A_754 = arith.addi %mul3A_752, %add3A_753 : i32
      %dma_start3A_755 = arith.constant 0 : i32
      %dma_start3A_756 = tpu.memref_slice %arg6[%add3A_754, %dma_start3A_755] : memref<512x64xf32, #tpu.memory_space<vmem>> -> memref<1x64xf32, #tpu.memory_space<vmem>>
      %dma_start3A_757 = arith.constant 0 : i32
      %dma_start3A_758 = tpu.memref_slice %arg2[%squeeze3A_750, %dma_start3A_757] : memref<100000x64xf32, #tpu.memory_space<hbm>> -> memref<1x64xf32, #tpu.memory_space<hbm>>
      %dma_start3A_759 = arith.constant 0 : i32
      %dma_start3A_760 = tpu.memref_slice %arg6[%add3A_754, %dma_start3A_759] : memref<512x64xf32, #tpu.memory_space<vmem>> -> memref<1x64xf32, #tpu.memory_space<vmem>>
      %dma_start3A_761 = arith.constant 0 : i32
      %dma_start3A_762 = tpu.memref_slice %arg2[%squeeze3A_750, %dma_start3A_761] : memref<100000x64xf32, #tpu.memory_space<hbm>> -> memref<1x64xf32, #tpu.memory_space<hbm>>
      tpu.enqueue_dma source(%dma_start3A_762 : memref<1x64xf32, #tpu.memory_space<hbm>>) target(%dma_start3A_760 : memref<1x64xf32, #tpu.memory_space<vmem>>) target_semaphore(%arg7 : memref<!tpu.dma_semaphore, #tpu.memory_space<semaphore_mem>>)
      %slice3A_763 = vector.extract_strided_slice %get3A_706 {offsets = [4], sizes = [1], strides = [1]} : vector<16xi32> to vector<1xi32>
      %squeeze3A_764 = vector.extract %slice3A_763[0] : i32 from vector<1xi32>
      %mul3A_765 = arith.constant 16 : i32
      %mul3A_766 = arith.muli %scan3A_701, %mul3A_765 : i32
      %add3A_767 = arith.constant 4 : i32
      %add3A_768 = arith.addi %mul3A_766, %add3A_767 : i32
      %dma_start3A_769 = arith.constant 0 : i32
      %dma_start3A_770 = tpu.memref_slice %arg6[%add3A_768, %dma_start3A_769] : memref<512x64xf32, #tpu.memory_space<vmem>> -> memref<1x64xf32, #tpu.memory_space<vmem>>
      %dma_start3A_771 = arith.constant 0 : i32
      %dma_start3A_772 = tpu.memref_slice %arg2[%squeeze3A_764, %dma_start3A_771] : memref<100000x64xf32, #tpu.memory_space<hbm>> -> memref<1x64xf32, #tpu.memory_space<hbm>>
      %dma_start3A_773 = arith.constant 0 : i32
      %dma_start3A_774 = tpu.memref_slice %arg6[%add3A_768, %dma_start3A_773] : memref<512x64xf32, #tpu.memory_space<vmem>> -> memref<1x64xf32, #tpu.memory_space<vmem>>
      %dma_start3A_775 = arith.constant 0 : i32
      %dma_start3A_776 = tpu.memref_slice %arg2[%squeeze3A_764, %dma_start3A_775] : memref<100000x64xf32, #tpu.memory_space<hbm>> -> memref<1x64xf32, #tpu.memory_space<hbm>>
      tpu.enqueue_dma source(%dma_start3A_776 : memref<1x64xf32, #tpu.memory_space<hbm>>) target(%dma_start3A_774 : memref<1x64xf32, #tpu.memory_space<vmem>>) target_semaphore(%arg7 : memref<!tpu.dma_semaphore, #tpu.memory_space<semaphore_mem>>)
      %slice3A_777 = vector.extract_strided_slice %get3A_706 {offsets = [5], sizes = [1], strides = [1]} : vector<16xi32> to vector<1xi32>
      %squeeze3A_778 = vector.extract %slice3A_777[0] : i32 from vector<1xi32>
      %mul3A_779 = arith.constant 16 : i32
      %mul3A_780 = arith.muli %scan3A_701, %mul3A_779 : i32
      %add3A_781 = arith.constant 5 : i32
      %add3A_782 = arith.addi %mul3A_780, %add3A_781 : i32
      %dma_start3A_783 = arith.constant 0 : i32
      %dma_start3A_784 = tpu.memref_slice %arg6[%add3A_782, %dma_start3A_783] : memref<512x64xf32, #tpu.memory_space<vmem>> -> memref<1x64xf32, #tpu.memory_space<vmem>>
      %dma_start3A_785 = arith.constant 0 : i32
      %dma_start3A_786 = tpu.memref_slice %arg2[%squeeze3A_778, %dma_start3A_785] : memref<100000x64xf32, #tpu.memory_space<hbm>> -> memref<1x64xf32, #tpu.memory_space<hbm>>
      %dma_start3A_787 = arith.constant 0 : i32
      %dma_start3A_788 = tpu.memref_slice %arg6[%add3A_782, %dma_start3A_787] : memref<512x64xf32, #tpu.memory_space<vmem>> -> memref<1x64xf32, #tpu.memory_space<vmem>>
      %dma_start3A_789 = arith.constant 0 : i32
      %dma_start3A_790 = tpu.memref_slice %arg2[%squeeze3A_778, %dma_start3A_789] : memref<100000x64xf32, #tpu.memory_space<hbm>> -> memref<1x64xf32, #tpu.memory_space<hbm>>
      tpu.enqueue_dma source(%dma_start3A_790 : memref<1x64xf32, #tpu.memory_space<hbm>>) target(%dma_start3A_788 : memref<1x64xf32, #tpu.memory_space<vmem>>) target_semaphore(%arg7 : memref<!tpu.dma_semaphore, #tpu.memory_space<semaphore_mem>>)
      %slice3A_791 = vector.extract_strided_slice %get3A_706 {offsets = [6], sizes = [1], strides = [1]} : vector<16xi32> to vector<1xi32>
      %squeeze3A_792 = vector.extract %slice3A_791[0] : i32 from vector<1xi32>
      %mul3A_793 = arith.constant 16 : i32
      %mul3A_794 = arith.muli %scan3A_701, %mul3A_793 : i32
      %add3A_795 = arith.constant 6 : i32
      %add3A_796 = arith.addi %mul3A_794, %add3A_795 : i32
      %dma_start3A_797 = arith.constant 0 : i32
      %dma_start3A_798 = tpu.memref_slice %arg6[%add3A_796, %dma_start3A_797] : memref<512x64xf32, #tpu.memory_space<vmem>> -> memref<1x64xf32, #tpu.memory_space<vmem>>
      %dma_start3A_799 = arith.constant 0 : i32
      %dma_start3A_800 = tpu.memref_slice %arg2[%squeeze3A_792, %dma_start3A_799] : memref<100000x64xf32, #tpu.memory_space<hbm>> -> memref<1x64xf32, #tpu.memory_space<hbm>>
      %dma_start3A_801 = arith.constant 0 : i32
      %dma_start3A_802 = tpu.memref_slice %arg6[%add3A_796, %dma_start3A_801] : memref<512x64xf32, #tpu.memory_space<vmem>> -> memref<1x64xf32, #tpu.memory_space<vmem>>
      %dma_start3A_803 = arith.constant 0 : i32
      %dma_start3A_804 = tpu.memref_slice %arg2[%squeeze3A_792, %dma_start3A_803] : memref<100000x64xf32, #tpu.memory_space<hbm>> -> memref<1x64xf32, #tpu.memory_space<hbm>>
      tpu.enqueue_dma source(%dma_start3A_804 : memref<1x64xf32, #tpu.memory_space<hbm>>) target(%dma_start3A_802 : memref<1x64xf32, #tpu.memory_space<vmem>>) target_semaphore(%arg7 : memref<!tpu.dma_semaphore, #tpu.memory_space<semaphore_mem>>)
      %slice3A_805 = vector.extract_strided_slice %get3A_706 {offsets = [7], sizes = [1], strides = [1]} : vector<16xi32> to vector<1xi32>
      %squeeze3A_806 = vector.extract %slice3A_805[0] : i32 from vector<1xi32>
      %mul3A_807 = arith.constant 16 : i32
      %mul3A_808 = arith.muli %scan3A_701, %mul3A_807 : i32
      %add3A_809 = arith.constant 7 : i32
      %add3A_810 = arith.addi %mul3A_808, %add3A_809 : i32
      %dma_start3A_811 = arith.constant 0 : i32
      %dma_start3A_812 = tpu.memref_slice %arg6[%add3A_810, %dma_start3A_811] : memref<512x64xf32, #tpu.memory_space<vmem>> -> memref<1x64xf32, #tpu.memory_space<vmem>>
      %dma_start3A_813 = arith.constant 0 : i32
      %dma_start3A_814 = tpu.memref_slice %arg2[%squeeze3A_806, %dma_start3A_813] : memref<100000x64xf32, #tpu.memory_space<hbm>> -> memref<1x64xf32, #tpu.memory_space<hbm>>
      %dma_start3A_815 = arith.constant 0 : i32
      %dma_start3A_816 = tpu.memref_slice %arg6[%add3A_810, %dma_start3A_815] : memref<512x64xf32, #tpu.memory_space<vmem>> -> memref<1x64xf32, #tpu.memory_space<vmem>>
      %dma_start3A_817 = arith.constant 0 : i32
      %dma_start3A_818 = tpu.memref_slice %arg2[%squeeze3A_806, %dma_start3A_817] : memref<100000x64xf32, #tpu.memory_space<hbm>> -> memref<1x64xf32, #tpu.memory_space<hbm>>
      tpu.enqueue_dma source(%dma_start3A_818 : memref<1x64xf32, #tpu.memory_space<hbm>>) target(%dma_start3A_816 : memref<1x64xf32, #tpu.memory_space<vmem>>) target_semaphore(%arg7 : memref<!tpu.dma_semaphore, #tpu.memory_space<semaphore_mem>>)
      %slice3A_819 = vector.extract_strided_slice %get3A_706 {offsets = [8], sizes = [1], strides = [1]} : vector<16xi32> to vector<1xi32>
      %squeeze3A_820 = vector.extract %slice3A_819[0] : i32 from vector<1xi32>
      %mul3A_821 = arith.constant 16 : i32
      %mul3A_822 = arith.muli %scan3A_701, %mul3A_821 : i32
      %add3A_823 = arith.constant 8 : i32
      %add3A_824 = arith.addi %mul3A_822, %add3A_823 : i32
      %dma_start3A_825 = arith.constant 0 : i32
      %dma_start3A_826 = tpu.memref_slice %arg6[%add3A_824, %dma_start3A_825] : memref<512x64xf32, #tpu.memory_space<vmem>> -> memref<1x64xf32, #tpu.memory_space<vmem>>
      %dma_start3A_827 = arith.constant 0 : i32
      %dma_start3A_828 = tpu.memref_slice %arg2[%squeeze3A_820, %dma_start3A_827] : memref<100000x64xf32, #tpu.memory_space<hbm>> -> memref<1x64xf32, #tpu.memory_space<hbm>>
      %dma_start3A_829 = arith.constant 0 : i32
      %dma_start3A_830 = tpu.memref_slice %arg6[%add3A_824, %dma_start3A_829] : memref<512x64xf32, #tpu.memory_space<vmem>> -> memref<1x64xf32, #tpu.memory_space<vmem>>
      %dma_start3A_831 = arith.constant 0 : i32
      %dma_start3A_832 = tpu.memref_slice %arg2[%squeeze3A_820, %dma_start3A_831] : memref<100000x64xf32, #tpu.memory_space<hbm>> -> memref<1x64xf32, #tpu.memory_space<hbm>>
      tpu.enqueue_dma source(%dma_start3A_832 : memref<1x64xf32, #tpu.memory_space<hbm>>) target(%dma_start3A_830 : memref<1x64xf32, #tpu.memory_space<vmem>>) target_semaphore(%arg7 : memref<!tpu.dma_semaphore, #tpu.memory_space<semaphore_mem>>)
      %slice3A_833 = vector.extract_strided_slice %get3A_706 {offsets = [9], sizes = [1], strides = [1]} : vector<16xi32> to vector<1xi32>
      %squeeze3A_834 = vector.extract %slice3A_833[0] : i32 from vector<1xi32>
      %mul3A_835 = arith.constant 16 : i32
      %mul3A_836 = arith.muli %scan3A_701, %mul3A_835 : i32
      %add3A_837 = arith.constant 9 : i32
      %add3A_838 = arith.addi %mul3A_836, %add3A_837 : i32
      %dma_start3A_839 = arith.constant 0 : i32
      %dma_start3A_840 = tpu.memref_slice %arg6[%add3A_838, %dma_start3A_839] : memref<512x64xf32, #tpu.memory_space<vmem>> -> memref<1x64xf32, #tpu.memory_space<vmem>>
      %dma_start3A_841 = arith.constant 0 : i32
      %dma_start3A_842 = tpu.memref_slice %arg2[%squeeze3A_834, %dma_start3A_841] : memref<100000x64xf32, #tpu.memory_space<hbm>> -> memref<1x64xf32, #tpu.memory_space<hbm>>
      %dma_start3A_843 = arith.constant 0 : i32
      %dma_start3A_844 = tpu.memref_slice %arg6[%add3A_838, %dma_start3A_843] : memref<512x64xf32, #tpu.memory_space<vmem>> -> memref<1x64xf32, #tpu.memory_space<vmem>>
      %dma_start3A_845 = arith.constant 0 : i32
      %dma_start3A_846 = tpu.memref_slice %arg2[%squeeze3A_834, %dma_start3A_845] : memref<100000x64xf32, #tpu.memory_space<hbm>> -> memref<1x64xf32, #tpu.memory_space<hbm>>
      tpu.enqueue_dma source(%dma_start3A_846 : memref<1x64xf32, #tpu.memory_space<hbm>>) target(%dma_start3A_844 : memref<1x64xf32, #tpu.memory_space<vmem>>) target_semaphore(%arg7 : memref<!tpu.dma_semaphore, #tpu.memory_space<semaphore_mem>>)
      %slice3A_847 = vector.extract_strided_slice %get3A_706 {offsets = [10], sizes = [1], strides = [1]} : vector<16xi32> to vector<1xi32>
      %squeeze3A_848 = vector.extract %slice3A_847[0] : i32 from vector<1xi32>
      %mul3A_849 = arith.constant 16 : i32
      %mul3A_850 = arith.muli %scan3A_701, %mul3A_849 : i32
      %add3A_851 = arith.constant 10 : i32
      %add3A_852 = arith.addi %mul3A_850, %add3A_851 : i32
      %dma_start3A_853 = arith.constant 0 : i32
      %dma_start3A_854 = tpu.memref_slice %arg6[%add3A_852, %dma_start3A_853] : memref<512x64xf32, #tpu.memory_space<vmem>> -> memref<1x64xf32, #tpu.memory_space<vmem>>
      %dma_start3A_855 = arith.constant 0 : i32
      %dma_start3A_856 = tpu.memref_slice %arg2[%squeeze3A_848, %dma_start3A_855] : memref<100000x64xf32, #tpu.memory_space<hbm>> -> memref<1x64xf32, #tpu.memory_space<hbm>>
      %dma_start3A_857 = arith.constant 0 : i32
      %dma_start3A_858 = tpu.memref_slice %arg6[%add3A_852, %dma_start3A_857] : memref<512x64xf32, #tpu.memory_space<vmem>> -> memref<1x64xf32, #tpu.memory_space<vmem>>
      %dma_start3A_859 = arith.constant 0 : i32
      %dma_start3A_860 = tpu.memref_slice %arg2[%squeeze3A_848, %dma_start3A_859] : memref<100000x64xf32, #tpu.memory_space<hbm>> -> memref<1x64xf32, #tpu.memory_space<hbm>>
      tpu.enqueue_dma source(%dma_start3A_860 : memref<1x64xf32, #tpu.memory_space<hbm>>) target(%dma_start3A_858 : memref<1x64xf32, #tpu.memory_space<vmem>>) target_semaphore(%arg7 : memref<!tpu.dma_semaphore, #tpu.memory_space<semaphore_mem>>)
      %slice3A_861 = vector.extract_strided_slice %get3A_706 {offsets = [11], sizes = [1], strides = [1]} : vector<16xi32> to vector<1xi32>
      %squeeze3A_862 = vector.extract %slice3A_861[0] : i32 from vector<1xi32>
      %mul3A_863 = arith.constant 16 : i32
      %mul3A_864 = arith.muli %scan3A_701, %mul3A_863 : i32
      %add3A_865 = arith.constant 11 : i32
      %add3A_866 = arith.addi %mul3A_864, %add3A_865 : i32
      %dma_start3A_867 = arith.constant 0 : i32
      %dma_start3A_868 = tpu.memref_slice %arg6[%add3A_866, %dma_start3A_867] : memref<512x64xf32, #tpu.memory_space<vmem>> -> memref<1x64xf32, #tpu.memory_space<vmem>>
      %dma_start3A_869 = arith.constant 0 : i32
      %dma_start3A_870 = tpu.memref_slice %arg2[%squeeze3A_862, %dma_start3A_869] : memref<100000x64xf32, #tpu.memory_space<hbm>> -> memref<1x64xf32, #tpu.memory_space<hbm>>
      %dma_start3A_871 = arith.constant 0 : i32
      %dma_start3A_872 = tpu.memref_slice %arg6[%add3A_866, %dma_start3A_871] : memref<512x64xf32, #tpu.memory_space<vmem>> -> memref<1x64xf32, #tpu.memory_space<vmem>>
      %dma_start3A_873 = arith.constant 0 : i32
      %dma_start3A_874 = tpu.memref_slice %arg2[%squeeze3A_862, %dma_start3A_873] : memref<100000x64xf32, #tpu.memory_space<hbm>> -> memref<1x64xf32, #tpu.memory_space<hbm>>
      tpu.enqueue_dma source(%dma_start3A_874 : memref<1x64xf32, #tpu.memory_space<hbm>>) target(%dma_start3A_872 : memref<1x64xf32, #tpu.memory_space<vmem>>) target_semaphore(%arg7 : memref<!tpu.dma_semaphore, #tpu.memory_space<semaphore_mem>>)
      %slice3A_875 = vector.extract_strided_slice %get3A_706 {offsets = [12], sizes = [1], strides = [1]} : vector<16xi32> to vector<1xi32>
      %squeeze3A_876 = vector.extract %slice3A_875[0] : i32 from vector<1xi32>
      %mul3A_877 = arith.constant 16 : i32
      %mul3A_878 = arith.muli %scan3A_701, %mul3A_877 : i32
      %add3A_879 = arith.constant 12 : i32
      %add3A_880 = arith.addi %mul3A_878, %add3A_879 : i32
      %dma_start3A_881 = arith.constant 0 : i32
      %dma_start3A_882 = tpu.memref_slice %arg6[%add3A_880, %dma_start3A_881] : memref<512x64xf32, #tpu.memory_space<vmem>> -> memref<1x64xf32, #tpu.memory_space<vmem>>
      %dma_start3A_883 = arith.constant 0 : i32
      %dma_start3A_884 = tpu.memref_slice %arg2[%squeeze3A_876, %dma_start3A_883] : memref<100000x64xf32, #tpu.memory_space<hbm>> -> memref<1x64xf32, #tpu.memory_space<hbm>>
      %dma_start3A_885 = arith.constant 0 : i32
      %dma_start3A_886 = tpu.memref_slice %arg6[%add3A_880, %dma_start3A_885] : memref<512x64xf32, #tpu.memory_space<vmem>> -> memref<1x64xf32, #tpu.memory_space<vmem>>
      %dma_start3A_887 = arith.constant 0 : i32
      %dma_start3A_888 = tpu.memref_slice %arg2[%squeeze3A_876, %dma_start3A_887] : memref<100000x64xf32, #tpu.memory_space<hbm>> -> memref<1x64xf32, #tpu.memory_space<hbm>>
      tpu.enqueue_dma source(%dma_start3A_888 : memref<1x64xf32, #tpu.memory_space<hbm>>) target(%dma_start3A_886 : memref<1x64xf32, #tpu.memory_space<vmem>>) target_semaphore(%arg7 : memref<!tpu.dma_semaphore, #tpu.memory_space<semaphore_mem>>)
      %slice3A_889 = vector.extract_strided_slice %get3A_706 {offsets = [13], sizes = [1], strides = [1]} : vector<16xi32> to vector<1xi32>
      %squeeze3A_890 = vector.extract %slice3A_889[0] : i32 from vector<1xi32>
      %mul3A_891 = arith.constant 16 : i32
      %mul3A_892 = arith.muli %scan3A_701, %mul3A_891 : i32
      %add3A_893 = arith.constant 13 : i32
      %add3A_894 = arith.addi %mul3A_892, %add3A_893 : i32
      %dma_start3A_895 = arith.constant 0 : i32
      %dma_start3A_896 = tpu.memref_slice %arg6[%add3A_894, %dma_start3A_895] : memref<512x64xf32, #tpu.memory_space<vmem>> -> memref<1x64xf32, #tpu.memory_space<vmem>>
      %dma_start3A_897 = arith.constant 0 : i32
      %dma_start3A_898 = tpu.memref_slice %arg2[%squeeze3A_890, %dma_start3A_897] : memref<100000x64xf32, #tpu.memory_space<hbm>> -> memref<1x64xf32, #tpu.memory_space<hbm>>
      %dma_start3A_899 = arith.constant 0 : i32
      %dma_start3A_900 = tpu.memref_slice %arg6[%add3A_894, %dma_start3A_899] : memref<512x64xf32, #tpu.memory_space<vmem>> -> memref<1x64xf32, #tpu.memory_space<vmem>>
      %dma_start3A_901 = arith.constant 0 : i32
      %dma_start3A_902 = tpu.memref_slice %arg2[%squeeze3A_890, %dma_start3A_901] : memref<100000x64xf32, #tpu.memory_space<hbm>> -> memref<1x64xf32, #tpu.memory_space<hbm>>
      tpu.enqueue_dma source(%dma_start3A_902 : memref<1x64xf32, #tpu.memory_space<hbm>>) target(%dma_start3A_900 : memref<1x64xf32, #tpu.memory_space<vmem>>) target_semaphore(%arg7 : memref<!tpu.dma_semaphore, #tpu.memory_space<semaphore_mem>>)
      %slice3A_903 = vector.extract_strided_slice %get3A_706 {offsets = [14], sizes = [1], strides = [1]} : vector<16xi32> to vector<1xi32>
      %squeeze3A_904 = vector.extract %slice3A_903[0] : i32 from vector<1xi32>
      %mul3A_905 = arith.constant 16 : i32
      %mul3A_906 = arith.muli %scan3A_701, %mul3A_905 : i32
      %add3A_907 = arith.constant 14 : i32
      %add3A_908 = arith.addi %mul3A_906, %add3A_907 : i32
      %dma_start3A_909 = arith.constant 0 : i32
      %dma_start3A_910 = tpu.memref_slice %arg6[%add3A_908, %dma_start3A_909] : memref<512x64xf32, #tpu.memory_space<vmem>> -> memref<1x64xf32, #tpu.memory_space<vmem>>
      %dma_start3A_911 = arith.constant 0 : i32
      %dma_start3A_912 = tpu.memref_slice %arg2[%squeeze3A_904, %dma_start3A_911] : memref<100000x64xf32, #tpu.memory_space<hbm>> -> memref<1x64xf32, #tpu.memory_space<hbm>>
      %dma_start3A_913 = arith.constant 0 : i32
      %dma_start3A_914 = tpu.memref_slice %arg6[%add3A_908, %dma_start3A_913] : memref<512x64xf32, #tpu.memory_space<vmem>> -> memref<1x64xf32, #tpu.memory_space<vmem>>
      %dma_start3A_915 = arith.constant 0 : i32
      %dma_start3A_916 = tpu.memref_slice %arg2[%squeeze3A_904, %dma_start3A_915] : memref<100000x64xf32, #tpu.memory_space<hbm>> -> memref<1x64xf32, #tpu.memory_space<hbm>>
      tpu.enqueue_dma source(%dma_start3A_916 : memref<1x64xf32, #tpu.memory_space<hbm>>) target(%dma_start3A_914 : memref<1x64xf32, #tpu.memory_space<vmem>>) target_semaphore(%arg7 : memref<!tpu.dma_semaphore, #tpu.memory_space<semaphore_mem>>)
      %slice3A_917 = vector.extract_strided_slice %get3A_706 {offsets = [15], sizes = [1], strides = [1]} : vector<16xi32> to vector<1xi32>
      %squeeze3A_918 = vector.extract %slice3A_917[0] : i32 from vector<1xi32>
      %mul3A_919 = arith.constant 16 : i32
      %mul3A_920 = arith.muli %scan3A_701, %mul3A_919 : i32
      %add3A_921 = arith.constant 15 : i32
      %add3A_922 = arith.addi %mul3A_920, %add3A_921 : i32
      %dma_start3A_923 = arith.constant 0 : i32
      %dma_start3A_924 = tpu.memref_slice %arg6[%add3A_922, %dma_start3A_923] : memref<512x64xf32, #tpu.memory_space<vmem>> -> memref<1x64xf32, #tpu.memory_space<vmem>>
      %dma_start3A_925 = arith.constant 0 : i32
      %dma_start3A_926 = tpu.memref_slice %arg2[%squeeze3A_918, %dma_start3A_925] : memref<100000x64xf32, #tpu.memory_space<hbm>> -> memref<1x64xf32, #tpu.memory_space<hbm>>
      %dma_start3A_927 = arith.constant 0 : i32
      %dma_start3A_928 = tpu.memref_slice %arg6[%add3A_922, %dma_start3A_927] : memref<512x64xf32, #tpu.memory_space<vmem>> -> memref<1x64xf32, #tpu.memory_space<vmem>>
      %dma_start3A_929 = arith.constant 0 : i32
      %dma_start3A_930 = tpu.memref_slice %arg2[%squeeze3A_918, %dma_start3A_929] : memref<100000x64xf32, #tpu.memory_space<hbm>> -> memref<1x64xf32, #tpu.memory_space<hbm>>
      tpu.enqueue_dma source(%dma_start3A_930 : memref<1x64xf32, #tpu.memory_space<hbm>>) target(%dma_start3A_928 : memref<1x64xf32, #tpu.memory_space<vmem>>) target_semaphore(%arg7 : memref<!tpu.dma_semaphore, #tpu.memory_space<semaphore_mem>>)
    }
    %scan3A_6 = arith.constant 32 : i32
    %dma_wait3A = arith.constant 0 : i32
    %dma_wait3A_7 = arith.constant 0 : i32
    %dma_wait3A_8 = tpu.memref_slice %arg2[%dma_wait3A, %dma_wait3A_7] : memref<100000x64xf32, #tpu.memory_space<hbm>> -> memref<512x64xf32, #tpu.memory_space<hbm>>
    %dma_wait3A_9 = arith.constant 0 : i32
    %dma_wait3A_10 = arith.constant 0 : i32
    %dma_wait3A_11 = tpu.memref_slice %arg2[%dma_wait3A_9, %dma_wait3A_10] : memref<100000x64xf32, #tpu.memory_space<hbm>> -> memref<512x64xf32, #tpu.memory_space<hbm>>
    tpu.wait_dma2 semaphore(%arg7 : memref<!tpu.dma_semaphore, #tpu.memory_space<semaphore_mem>>) src(%dma_wait3A_11 : memref<512x64xf32, #tpu.memory_space<hbm>>) dst(%arg6 : memref<512x64xf32, #tpu.memory_space<vmem>>)
    "tpu.region"() ({
      %run_scoped3A = tpu.sem_alloc : memref<!tpu.dma_semaphore, #tpu.memory_space<semaphore_mem>>
      %dma_start3A = arith.constant 0 : i32
      %dma_start3A_12 = tpu.memref_slice %arg4[%mul3A_2, %dma_start3A] : memref<16384x64xf32, #tpu.memory_space<hbm>> -> memref<512x64xf32, #tpu.memory_space<hbm>>
      %dma_start3A_13 = arith.constant 0 : i32
      %dma_start3A_14 = tpu.memref_slice %arg4[%mul3A_2, %dma_start3A_13] : memref<16384x64xf32, #tpu.memory_space<hbm>> -> memref<512x64xf32, #tpu.memory_space<hbm>>
      tpu.enqueue_dma source(%arg6 : memref<512x64xf32, #tpu.memory_space<vmem>>) target(%dma_start3A_14 : memref<512x64xf32, #tpu.memory_space<hbm>>) target_semaphore(%run_scoped3A : memref<!tpu.dma_semaphore, #tpu.memory_space<semaphore_mem>>)
      %dma_wait3A_15 = arith.constant 0 : i32
      %dma_wait3A_16 = tpu.memref_slice %arg4[%mul3A_2, %dma_wait3A_15] : memref<16384x64xf32, #tpu.memory_space<hbm>> -> memref<512x64xf32, #tpu.memory_space<hbm>>
      %dma_wait3A_17 = arith.constant 0 : i32
      %dma_wait3A_18 = tpu.memref_slice %arg4[%mul3A_2, %dma_wait3A_17] : memref<16384x64xf32, #tpu.memory_space<hbm>> -> memref<512x64xf32, #tpu.memory_space<hbm>>
      tpu.wait_dma2 semaphore(%run_scoped3A : memref<!tpu.dma_semaphore, #tpu.memory_space<semaphore_mem>>) src(%arg6 : memref<512x64xf32, #tpu.memory_space<vmem>>) dst(%dma_wait3A_18 : memref<512x64xf32, #tpu.memory_space<hbm>>)
      tpu.yield
    }) : () -> ()
    return
  }
}

</mosaic_0001>

<sc_bundles>
// kernel: kernel.3.cloned.1.call-start
scs
__scs_entry_jumppad:
0x0: {  	(pc) =	sbr.rel $0x88, $3  }
0x1: {  	(tag) =	ssettag $0x0;
	lr =	simm.s32 $0x1  }
0x2: {  	[smem:$0x3F9F] =	sst lr;
	_ =	strace $0xD0000000  }
0x3: {  	_ = 	snop  }
0x4: {  	_ = 	snop  }
0x5: {  	_ = 	snop  }
0x6: {  	_ = 	snop  }
0x7: {  	_ = 	snop  }
__scs_overlays_trampoline_lowered:
0x8: {  	[smem:$0x3FAE] =	sst s0  }
0x9: {  	[smem:$0x3FAF] =	sst s1  }
0xa: {  	[smem:$0x3FB0] =	sst s2  }
0xb: {  	[smem:$0x3FB1] =	sst s3  }
0xc: {  	[smem:$0x3FB2] =	sst s4  }
0xd: {  	[smem:$0x3FB3] =	sst s5  }
0xe: {  	[smem:$0x3FB4] =	sst s6  }
0xf: {  	[smem:$0x3FB5] =	sst s7  }
0x10: {  	[smem:$0x3FB6] =	sst s8  }
0x11: {  	[smem:$0x3FB7] =	sst s9;
	s0 =	simm.s32 @!p0 $0x0  }
0x12: {  	s1 =	sld [smem:$0x3F9D];
	s0 =	simm.s32 @p0 $0x1  }
0x13: {  	[smem:$0x3FB8] =	sst s0;
	s0 =	simm.s32 @!p1 $0x0  }
0x14: {  	s2 =	sld [smem:$0x3F9C];
	s0 =	simm.s32 @p1 $0x1  }
0x15: {  	[smem:$0x3FB9] =	sst s0;
	s0 =	simm.s32 @!p2 $0x0  }
0x16: {  	s3 =	sld [smem:$0x3FDB];
	s0 =	simm.s32 @p2 $0x1  }
0x17: {  	s4 =	simm.s32 $0x1BF5;
	[smem:$0x3FBB] =	sst s0  }
0x18: {  	s0 =	sld [smem:$0x3F9E];
	_ =	swait.ge [sflag:s4], $0x0  }
0x19: {  	s7 =	sld [smem:$0x3F9F]  }
0x1a: {  	s8 =	sadd.s32 $0xFFFFE003, lr  }
0x1b: {  	s9 =	sadd.s32 $0xFFFFFEF7, lr;
	s5 =	simm.s32 $0xFFFFFFFF;
	p2 =	slt.u32 s8, $0xFFFFF086  }
0x1c: {  	p1 =	slt.u32 s9, $0xF7A;
	s5 =	simm.s32 @!p2 $0x0  }
0x1d: {  	s5 =	simm.s32 @p1 $0x1;
	p0 =	seq.s32 s7, s2  }
0x1e: {  	s7 =	smul.u32 @!p0 $0xF7A, s2;
	p2 =	seq.s32 @!p0 s5, $0x0  }
0x1f: {  	s9 =	smul.u32 $0xF7A, s1;
	s8 =	simm.s32 @!p0 $0x1BF5;
	p2 =	por !p2, p0  }
0x20: {  	[sflag:s8] =	ssyncset.s32 @!p0 $0xFFFFF086;
	s6 =	sadd.s32 @!p0 s3, s7;
	s7 =	simm.s32 @!p0 $0x108  }
0x21: {  	s3 =	sadd.s32 s3, s9;
	s6 =	sadd.s32 @!p0 $0x88, s6;
	s7 =	simm.s32 @p2 $0x1082  }
0x22: {  	[simem:s7], [sflag:s8] =	dma.local @!p0 [hbm:s6], $0xF7A  }
0x23: {  	s9 =	sor.u32 $0xD0000000, s2;
	s6 =	simm.s32 $0x108;
	_ =	swait.ge @!p0 [sflag:s8], $0x0  }
0x24: {  	s3 =	sadd.s32 $0x88, s3;
	s6 =	simm.s32 @!p1 $0x1082;
	[sflag:s4] =	ssyncset.s32 $0xFFFFF086  }
0x25: {  	[simem:s6], [sflag:s4] =	dma.local [hbm:s3], $0xF7A  }
0x26: {  	[smem:$0x3F9F] =	sst s1;
	(tag) =	ssettag s2;
	_ =	strace s9  }
0x27: {  	s1 =	sld [smem:$0x3FAF]  }
0x28: {  	s2 =	sld [smem:$0x3FB0]  }
0x29: {  	s4 =	sld [smem:$0x3FB2]  }
0x2a: {  	p0 =	seq.s32 s5, $0x0;
	s5 =	sld [smem:$0x3FB3]  }
0x2b: {  	s6 =	sld [smem:$0x3FB4]  }
0x2c: {  	s7 =	sld [smem:$0x3FB5]  }
0x2d: {  	s3 =	simm.s32 $0x108;
	s8 =	sld [smem:$0x3FB6]  }
0x2e: {  	s3 =	simm.s32 @!p0 $0x1082;
	s9 =	sld [smem:$0x3FB7]  }
0x2f: {  	lr =	sadd.s32 s0, s3;
	s0 =	sld [smem:$0x3FAE]  }
0x30: {  	s3 =	sld [smem:$0x3FB1]  }
0x31: {  	[smem:$0x3FBA] =	sst s10  }
0x32: {  	s10 =	sld [smem:$0x3FB8];
	_ =	sdelay $0x3  }
0x33: {  	p0 =	seq.s32 s10, $0x1;
	s10 =	sld [smem:$0x3FBA];
	_ =	sdelay $0x3  }
0x34: {  	[smem:$0x3FBA] =	sst s10  }
0x35: {  	s10 =	sld [smem:$0x3FB9];
	_ =	sdelay $0x3  }
0x36: {  	p1 =	seq.s32 s10, $0x1;
	s10 =	sld [smem:$0x3FBA];
	_ =	sdelay $0x3  }
0x37: {  	[smem:$0x3FBA] =	sst s10  }
0x38: {  	s10 =	sld [smem:$0x3FBB]  }
0x39: {  	_ = 	snop;
	(pc) =	sbr.ind lr, $3  }
0x3a: {  	_ = 	snop  }
0x3b: {  	_ = 	snop  }
0x3c: {  	p2 =	seq.s32 s10, $0x1;
	s10 =	sld [smem:$0x3FBA]  }
0x3d: {  	_ =	shalt  }
0x3e: {  	_ =	shalt  }
0x3f: {  	_ =	shalt  }
0x40: {  	_ =	shalt  }
0x41: {  	_ =	shalt  }
0x42: {  	_ =	shalt  }
0x43: {  	_ =	shalt  }
0x44: {  	_ =	shalt  }
0x45: {  	_ =	shalt  }
0x46: {  	_ =	shalt  }
0x47: {  	_ =	shalt  }
0x48: {  	_ =	shalt  }
0x49: {  	_ =	shalt  }
0x4a: {  	_ =	shalt  }
0x4b: {  	_ =	shalt  }
0x4c: {  	_ =	shalt  }
0x4d: {  	_ =	shalt  }
0x4e: {  	_ =	shalt  }
0x4f: {  	_ =	shalt  }
0x50: {  	_ =	shalt  }
0x51: {  	_ =	shalt  }
0x52: {  	_ =	shalt  }
0x53: {  	_ =	shalt  }
0x54: {  	_ =	shalt  }
0x55: {  	_ =	shalt  }
0x56: {  	_ =	shalt  }
0x57: {  	_ =	shalt  }
0x58: {  	_ =	shalt  }
0x59: {  	_ =	shalt  }
0x5a: {  	_ =	shalt  }
0x5b: {  	_ =	shalt  }
0x5c: {  	_ =	shalt  }
0x5d: {  	_ =	shalt  }
0x5e: {  	_ =	shalt  }
0x5f: {  	_ =	shalt  }
0x60: {  	_ =	shalt  }
0x61: {  	_ =	shalt  }
0x62: {  	_ =	shalt  }
0x63: {  	_ =	shalt  }
0x64: {  	_ =	shalt  }
0x65: {  	_ =	shalt  }
0x66: {  	_ =	shalt  }
0x67: {  	_ =	shalt  }
0x68: {  	_ =	shalt  }
0x69: {  	_ =	shalt  }
0x6a: {  	_ =	shalt  }
0x6b: {  	_ =	shalt  }
0x6c: {  	_ =	shalt  }
0x6d: {  	_ =	shalt  }
0x6e: {  	_ =	shalt  }
0x6f: {  	_ =	shalt  }
0x70: {  	_ =	shalt  }
0x71: {  	_ =	shalt  }
0x72: {  	_ =	shalt  }
0x73: {  	_ =	shalt  }
0x74: {  	_ =	shalt  }
0x75: {  	_ =	shalt  }
0x76: {  	_ =	shalt  }
0x77: {  	_ =	shalt  }
0x78: {  	_ =	shalt  }
0x79: {  	_ =	shalt  }
0x7a: {  	_ =	shalt  }
0x7b: {  	_ =	shalt  }
0x7c: {  	_ =	shalt  }
0x7d: {  	_ =	shalt  }
0x7e: {  	_ =	shalt  }
0x7f: {  	_ =	shalt  }
0x80: {  	_ =	shalt  }
0x81: {  	_ =	shalt  }
0x82: {  	_ =	shalt  }
0x83: {  	_ =	shalt  }
0x84: {  	_ =	shalt  }
0x85: {  	_ =	shalt  }
0x86: {  	_ =	shalt  }
0x87: {  	_ =	shalt  }
.Lfunc_end0:
.L_simem_size_0:
called_computation_lowered:
.L_overlay_start_0:
0x88: {  	s2 =	sld [smem:$0x3FD9]  }
0x89: {  	s3 =	sld [smem:$0x3FFE];
	_ =	sdelay $0x1  }
0x8a: {  	s1 =	srdreg.scid  }
0x8b: {  	s0 =	sand.u32 $0x1, s1  }
0x8c: {  	s17 =	sshll.u32 s0, $0xA;
	s2 =	sadd.s32 s3, s2  }
0x8d: {  	s2 =	sadd.s32 s2, s17  }
0x8e: {  	[smem:$0x3FC6] =	sst s2  }
0x8f: {  	_ = 	snop  }
0x90: {  	s2 =	sld [smem:$0x3FC9];
	(tm) =	ssettm $0x1  }
0x91: {  	s18 =	sld [smem:$0x3FFB];
	_ =	sdelay $0x3  }
0x92: {  	_ =	strace s18  }
0x93: {  	s3 =	sld [smem:$0x3FFC];
	_ =	sdelay $0x3  }
0x94: {  	_ =	strace s3  }
0x95: {  	s3 =	sld [smem:$0x3FFD];
	_ =	sdelay $0x3  }
0x96: {  	_ =	strace s3  }
0x97: {  	_ =	strace $0x8FFFFFFF  }
0x98: {  	s19 =	sld [smem:$0x3FDB];
	_ =	sdelay $0x1  }
0x99: {  	s4 =	simm.s32 $_scs_section_size  }
0x9a: {  	s5 =	simm.s32 $_size__tile_overlayer_lowered;
	s6 =	simm.s32 $_tile_overlayer_lowered  }
0x9b: {  	s22 =	simm.s32 $0x1BFF;
	s21 =	sshll.u32 s6, $0x1;
	s3 =	sadd.s32 s4, s19  }
0x9c: {  	s7 =	simm.s32 $0x0;
	s20 =	sshll.u32 s5, $0x1;
	s5 =	sadd.s32 s21, s3  }
0x9d: {  	[timem:s7], [sflag:s22] =	dma.local [hbm:s5], s20  }
0x9e: {  	_ =	swait.ge [sflag:s22], s20  }
0x9f: {  	s4 =	ssub.s32 $0x0, s20;
	[sflag:s22] =	ssyncset.done $0x0  }
0xa0: {  	[sflag:s22] =	ssyncadd.s32 s4;
	_ =	sdelay $0x1  }
0xa1: {  	s23 =	simm.s32 $0x1B8B  }
0xa2: {  	_ =	swait.ge [sflag:s23], $0x1  }
0xa3: {  	[sflag:s23] =	ssyncset.done $0x0  }
0xa4: {  	s25 =	simm.s32 $0x1B8E;
	s24 =	sld [smem:$0x3FFE];
	[sflag:s23] =	ssyncadd.s32 $0xFFFFFFFF  }
0xa5: {  	s26 =	simm.s32 $execute0_lowered;
	[smem:$0x3FD2] =	sst s25  }
0xa6: {  	s5 =	sshll.u32 s26, $0x1;
	_ =	strace $0x80000046;
	[dreg:$0x1] =	wrdreg $0xFFFFFFFF  }
0xa7: {  	s28 =	simm.s32 $_size_execute0_lowered;
	s3 =	sadd.s32 s3, s5;
	[dreg:$0x0] =	wrdreg $0x0  }
0xa8: {  	s5 =	sshll.u32 s28, $0x1;
	[dreg:$0x2] =	wrdreg s3  }
0xa9: {  	[dreg:$0x3] =	wrdreg s5  }
0xaa: {  	[dreg:$0x4] =	wrdreg $0xC0  }
0xab: {  	_ =	task [dreg:s7], $0x5FFFF  }
0xac: {  	[dreg:$0x1] =	wrdreg $0xFFFFFFFF  }
0xad: {  	[dreg:$0x0] =	wrdreg $0x60  }
0xae: {  	[dreg:$0x2] =	wrdreg s24  }
0xaf: {  	[dreg:$0x3] =	wrdreg s2  }
0xb0: {  	[dreg:$0x4] =	wrdreg $0x9  }
0xb1: {  	_ =	task.clear_ibuf [dreg:s7], $0x5FFFF;
	_ =	strace $0x90000046  }
0xb2: {  	s29 =	simm.s32 $0x9;
	_ =	strace $0x80000048  }
0xb3: {  	_ =	swait.ge [sflag:s29], $0x1  }
0xb4: {  	[sflag:s29] =	ssyncadd.s32 $0xFFFFFFFF  }
0xb5: {  	_ =	strace $0x90000048  }
0xb6: {  	_ =	sfence  }
0xb7: {  	s30 =	sld [smem:$0x0];
	_ =	sdelay $0x2  }
0xb8: {  	s31 =	sshll.u32 s1, $0xD;
	s1 =	sshrl.u32 s1, $0x2  }
0xb9: {  	s3 =	sand.u32 $0x4000, s31;
	s1 =	sadd.s32 s1, s30  }
0xba: {  	s0 =	sor.u32 s3, s0;
	s1 =	sshll.u32 s1, $0x11  }
0xbb: {  	s0 =	sor.u32 s1, s0  }
0xbc: {  	s0 =	sadd.s32 $0x8F2B, s0  }
0xbd: {  	[sflag:s0] =	ssyncadd.remote.s32 $0x1  }
0xbe: {  	_ =	sfence.sel $0xFFFF  }
0xbf: {  	[dreg:$0x0] =	wrdreg $0xFFFFFFFF;
	(pc) =	sbr.abs _section_cstart, $3  }
0xc0: {  	[dreg:$0x1] =	wrdreg $0xFFFFFFFF  }
0xc1: {  	_ =	task.clear_ibuf [dreg:s7], $0x2FFFF;
	_ =	strace $0x9FFFFFFF  }
0xc2: {  	(tm) =	ssettm $0x7FFFFFFF  }
0xc3: {  	_ =	shalt  }
tec
execute0_lowered:
.L_overlay_start_1:
0x0: {  	(tag) =	ssettag $0x1  }
0x1: {  	s4 =	rddreg [dreg:$0x0]  }
0x2: {  	s5 =	rddreg [dreg:$0x1]  }
0x3: {  	s0 =	rddreg [dreg:$0x2];
	s2 =	simm.s32 $0x0;
	s3 =	srdreg.scid  }
0x4: {  	s1 =	stileid.u32;
	s10 =	simm.s32 $0x0;
	s6 =	sand.u32 $0x1, s3  }
0x5: {  	[smem:$0x7FF] =	sst s2;
	s7 =	sshll.u32 s1, $0xA;
	s8 =	sshll.u32 s6, $0x9  }
0x6: {  	s3 =	sadd.s32 $0x400, s4;
	s6 =	ssub.s32 $0x2, s6;
	s7 =	sor.u32 s8, s7  }
0x7: {  	_ =	strace $0x80000047;
	s9 =	sshrl.u32 s6, $0x1;
	s8 =	sshll.u32 s7, $0x4  }
0x8: {  	s7 =	sshrl.u32 s7, $0x3;
	s6 =	ssub.s32 s6, s9;
	s9 =	simm.s32 $0x200  }
0x9: {  	s8 =	sadd.s32 s8, s4;
	s4 =	sadd.s32 s5, s7;
	s6 =	smax.u32 s6, $0x1  }
0xa: {  	s7 =	simm.s32 $0x2;
	s5 =	sadd.s32 $0x186E00, s8;
	s8 =	simm.s32 $0x1  }
.LBB2_1:
0xb: {  	[tilespmem:s2], [sflag:$0x2] =	stream.linear.gather [hbm4b:s4+s2], $0x200, $0x38;
	[tilespmem:$0x10200] =	vst v63  }
0xc: {  	_ =	swait.ge [sflag:s7], $0x200  }
0xd: {  	[sflag:s7] =	ssyncset.done $0x0  }
0xe: {  	s12 =	simm.s32 $0x20;
	[sflag:s7] =	ssyncadd.s32 $0xFFFFFE00  }
0xf: {  	v0 =	vld [tilespmem:s12+$0xFFFFFFE0];
	_ =	sdelay $0x4  }
0x10: {  	v0 =	vshll.u32 v0, $0x4  }
0x11: {  	(v2sf) =	vpush v0, $0x0  }
0x12: {  	(v2sf) =	vpush v0, $0x1  }
0x13: {  	(v2sf) =	vpush v0, $0x2;
	_ =	sdelay $0x1  }
0x14: {  	(v2sf) =	vpush v0, $0x3;
	_ =	sdelay $0x1  }
0x15: {  	(v2sf) =	vpush v0, $0x4;
	_ =	sdelay $0x1  }
0x16: {  	(v2sf) =	vpush v0, $0x5;
	_ =	sdelay $0x1  }
0x17: {  	(v2sf) =	vpush v0, $0x6  }
0x18: {  	s13 =	simm.s32 $0x800;
	s11 =	simm.s32 $0x880  }
0x19: {  	s16 =	simm.s32 $0x680;
	s15 =	simm.s32 $0x700;
	s14 =	simm.s32 $0x780;
	(v2sf) =	vpush v0, $0x7  }
0x1a: {  	s17 =	simm.s32 $0x500;
	s18 =	simm.s32 $0x580;
	s19 =	simm.s32 $0x600  }
0x1b: {  	s20 =	simm.s32 $0x380;
	s21 =	simm.s32 $0x400;
	s22 =	simm.s32 $0x480;
	(v2sf) =	vpush v0, $0x8  }
0x1c: {  	s23 =	simm.s32 $0x280;
	s24 =	simm.s32 $0x300;
	s25 =	spop (v2sf)  }
0x1d: {  	s26 =	simm.s32 $0x200;
	s25 =	sand.u32 $0x1FFFFFF0, s25;
	s28 =	spop (v2sf);
	(v2sf) =	vpush v0, $0x9  }
0x1e: {  	s25 =	sadd.s32 s3, s25;
	s28 =	sand.u32 $0x1FFFFFF0, s28;
	s29 =	spop (v2sf)  }
0x1f: {  	(v2sf) =	vpush v0, $0xA;
	[tilespmem:s26], [sflag:$0x1] =	stream.linear.gather [hbm4b:s25+s2], $0x80, $0x38;
	[tilespmem:$0x10200] =	vst v63  }
0x20: {  	s26 =	sadd.s32 s3, s28;
	s30 =	sand.u32 $0x1FFFFFF0, s29;
	s31 =	spop (v2sf)  }
0x21: {  	(v2sf) =	vpush v0, $0xB;
	[tilespmem:s23], [sflag:$0x1] =	stream.linear.gather [hbm4b:s26+s2], $0x80, $0x38;
	[tilespmem:$0x10200] =	vst v63  }
0x22: {  	s29 =	sadd.s32 s3, s30;
	s30 =	sand.u32 $0x1FFFFFF0, s31;
	s31 =	spop (v2sf)  }
0x23: {  	(v2sf) =	vpush v0, $0xC;
	[tilespmem:s24], [sflag:$0x1] =	stream.linear.gather [hbm4b:s29+s2], $0x80, $0x38;
	[tilespmem:$0x10200] =	vst v63  }
0x24: {  	s25 =	sadd.s32 s3, s30;
	s26 =	sand.u32 $0x1FFFFFF0, s31;
	s28 =	spop (v2sf)  }
0x25: {  	(v2sf) =	vpush v0, $0xD;
	[tilespmem:s20], [sflag:$0x1] =	stream.linear.gather [hbm4b:s25+s2], $0x80, $0x38;
	[tilespmem:$0x10200] =	vst v63  }
0x26: {  	s30 =	sand.u32 $0x1FFFFFF0, s28;
	s31 =	spop (v2sf);
	s29 =	sadd.s32 s3, s26  }
0x27: {  	(v2sf) =	vpush v0, $0xE;
	[tilespmem:s21], [sflag:$0x1] =	stream.linear.gather [hbm4b:s29+s2], $0x80, $0x38;
	[tilespmem:$0x10200] =	vst v63  }
0x28: {  	s23 =	sand.u32 $0x1FFFFFF0, s31;
	s24 =	spop (v2sf);
	s21 =	sadd.s32 s3, s30  }
0x29: {  	(v2sf) =	vpush v0, $0xF;
	[tilespmem:s22], [sflag:$0x1] =	stream.linear.gather [hbm4b:s21+s2], $0x80, $0x38;
	[tilespmem:$0x10200] =	vst v63  }
0x2a: {  	s26 =	sand.u32 $0x1FFFFFF0, s24;
	s28 =	spop (v2sf);
	s25 =	sadd.s32 s3, s23  }
0x2b: {  	[tilespmem:s17], [sflag:$0x1] =	stream.linear.gather [hbm4b:s25+s2], $0x80, $0x38;
	[tilespmem:$0x10200] =	vst v63  }
0x2c: {  	s29 =	sadd.s32 s3, s26;
	s30 =	sand.u32 $0x1FFFFFF0, s28;
	s31 =	spop (v2sf)  }
0x2d: {  	[tilespmem:s18], [sflag:$0x1] =	stream.linear.gather [hbm4b:s29+s2], $0x80, $0x38;
	[tilespmem:$0x10200] =	vst v63  }
0x2e: {  	s18 =	sadd.s32 s3, s30;
	s20 =	sand.u32 $0x1FFFFFF0, s31;
	s21 =	spop (v2sf)  }
0x2f: {  	[tilespmem:s19], [sflag:$0x1] =	stream.linear.gather [hbm4b:s18+s2], $0x80, $0x38;
	[tilespmem:$0x10200] =	vst v63  }
0x30: {  	s22 =	sadd.s32 s3, s20;
	s23 =	sand.u32 $0x1FFFFFF0, s21;
	s24 =	spop (v2sf)  }
0x31: {  	[tilespmem:s16], [sflag:$0x1] =	stream.linear.gather [hbm4b:s22+s2], $0x80, $0x38;
	[tilespmem:$0x10200] =	vst v63  }
0x32: {  	s25 =	sadd.s32 s3, s23;
	s26 =	sand.u32 $0x1FFFFFF0, s24;
	s28 =	spop (v2sf)  }
0x33: {  	[tilespmem:s15], [sflag:$0x1] =	stream.linear.gather [hbm4b:s25+s2], $0x80, $0x38;
	[tilespmem:$0x10200] =	vst v63  }
0x34: {  	s29 =	sadd.s32 s3, s26;
	s30 =	sand.u32 $0x1FFFFFF0, s28;
	s31 =	spop (v2sf)  }
0x35: {  	[tilespmem:s14], [sflag:$0x1] =	stream.linear.gather [hbm4b:s29+s2], $0x80, $0x38;
	[tilespmem:$0x10200] =	vst v63  }
0x36: {  	s16 =	sadd.s32 s3, s30;
	s18 =	sand.u32 $0x1FFFFFF0, s31;
	s19 =	spop (v2sf)  }
0x37: {  	[tilespmem:s13], [sflag:$0x1] =	stream.linear.gather [hbm4b:s16+s2], $0x80, $0x38;
	[tilespmem:$0x10200] =	vst v63  }
0x38: {  	s20 =	sadd.s32 s3, s18;
	s21 =	sand.u32 $0x1FFFFFF0, s19;
	s22 =	spop (v2sf)  }
0x39: {  	[tilespmem:s11], [sflag:$0x1] =	stream.linear.gather [hbm4b:s20+s2], $0x80, $0x38;
	[tilespmem:$0x10200] =	vst v63  }
0x3a: {  	s23 =	simm.s32 $0x900;
	s24 =	sadd.s32 s3, s21;
	s25 =	sand.u32 $0x1FFFFFF0, s22  }
0x3b: {  	[tilespmem:s23], [sflag:$0x1] =	stream.linear.gather [hbm4b:s24+s2], $0x80, $0x38;
	[tilespmem:$0x10200] =	vst v63  }
0x3c: {  	s26 =	simm.s32 $0x980;
	s28 =	sadd.s32 s3, s25  }
0x3d: {  	[tilespmem:s26], [sflag:$0x1] =	stream.linear.gather [hbm4b:s28+s2], $0x80, $0x38;
	[tilespmem:$0x10200] =	vst v63  }
0x3e: {  	v61 =	vld [tilespmem:s12+$0xFFFFFFF0];
	_ =	sdelay $0x4  }
0x3f: {  	v0 =	vshll.u32 v61, $0x4  }
0x40: {  	(v2sf) =	vpush v0, $0x0  }
0x41: {  	(v2sf) =	vpush v0, $0x1  }
0x42: {  	(v2sf) =	vpush v0, $0x2;
	_ =	sdelay $0x1  }
0x43: {  	(v2sf) =	vpush v0, $0x3;
	_ =	sdelay $0x1  }
0x44: {  	(v2sf) =	vpush v0, $0x4;
	_ =	sdelay $0x1  }
0x45: {  	(v2sf) =	vpush v0, $0x5;
	_ =	sdelay $0x1  }
0x46: {  	(v2sf) =	vpush v0, $0x6  }
0x47: {  	s17 =	simm.s32 $0xD00;
	s18 =	simm.s32 $0xD80  }
0x48: {  	s19 =	simm.s32 $0xE00;
	s15 =	simm.s32 $0xF00;
	s21 =	simm.s32 $0xC00;
	(v2sf) =	vpush v0, $0x7  }
0x49: {  	s22 =	simm.s32 $0xC80;
	s14 =	simm.s32 $0xF80;
	s13 =	simm.s32 $0x1000  }
0x4a: {  	s16 =	simm.s32 $0xE80;
	s11 =	simm.s32 $0x1080;
	s20 =	simm.s32 $0xB80;
	(v2sf) =	vpush v0, $0x8  }
0x4b: {  	s23 =	simm.s32 $0xA80;
	s24 =	simm.s32 $0xB00;
	s29 =	spop (v2sf)  }
0x4c: {  	s26 =	simm.s32 $0xA00;
	s25 =	sand.u32 $0x1FFFFFF0, s29;
	s30 =	spop (v2sf);
	(v2sf) =	vpush v0, $0x9  }
0x4d: {  	s25 =	sadd.s32 s3, s25;
	s28 =	sand.u32 $0x1FFFFFF0, s30;
	s31 =	spop (v2sf)  }
0x4e: {  	(v2sf) =	vpush v0, $0xA;
	[tilespmem:s26], [sflag:$0x1] =	stream.linear.gather [hbm4b:s25+s2], $0x80, $0x38;
	[tilespmem:$0x10200] =	vst v63  }
0x4f: {  	s26 =	sadd.s32 s3, s28;
	s30 =	sand.u32 $0x1FFFFFF0, s31;
	s31 =	spop (v2sf)  }
0x50: {  	(v2sf) =	vpush v0, $0xB;
	[tilespmem:s23], [sflag:$0x1] =	stream.linear.gather [hbm4b:s26+s2], $0x80, $0x38;
	[tilespmem:$0x10200] =	vst v63  }
0x51: {  	s29 =	sadd.s32 s3, s30;
	s30 =	sand.u32 $0x1FFFFFF0, s31;
	s31 =	spop (v2sf)  }
0x52: {  	(v2sf) =	vpush v0, $0xC;
	[tilespmem:s24], [sflag:$0x1] =	stream.linear.gather [hbm4b:s29+s2], $0x80, $0x38;
	[tilespmem:$0x10200] =	vst v63  }
0x53: {  	s25 =	sadd.s32 s3, s30;
	s26 =	sand.u32 $0x1FFFFFF0, s31;
	s28 =	spop (v2sf)  }
0x54: {  	(v2sf) =	vpush v0, $0xD;
	[tilespmem:s20], [sflag:$0x1] =	stream.linear.gather [hbm4b:s25+s2], $0x80, $0x38;
	[tilespmem:$0x10200] =	vst v63  }
0x55: {  	s30 =	sand.u32 $0x1FFFFFF0, s28;
	s31 =	spop (v2sf);
	s29 =	sadd.s32 s3, s26  }
0x56: {  	(v2sf) =	vpush v0, $0xE;
	[tilespmem:s21], [sflag:$0x1] =	stream.linear.gather [hbm4b:s29+s2], $0x80, $0x38;
	[tilespmem:$0x10200] =	vst v63  }
0x57: {  	s23 =	sand.u32 $0x1FFFFFF0, s31;
	s24 =	spop (v2sf);
	s21 =	sadd.s32 s3, s30  }
0x58: {  	(v2sf) =	vpush v0, $0xF;
	[tilespmem:s22], [sflag:$0x1] =	stream.linear.gather [hbm4b:s21+s2], $0x80, $0x38;
	[tilespmem:$0x10200] =	vst v63  }
0x59: {  	s26 =	sand.u32 $0x1FFFFFF0, s24;
	s28 =	spop (v2sf);
	s25 =	sadd.s32 s3, s23  }
0x5a: {  	[tilespmem:s17], [sflag:$0x1] =	stream.linear.gather [hbm4b:s25+s2], $0x80, $0x38;
	[tilespmem:$0x10200] =	vst v63  }
0x5b: {  	s29 =	sadd.s32 s3, s26;
	s30 =	sand.u32 $0x1FFFFFF0, s28;
	s31 =	spop (v2sf)  }
0x5c: {  	[tilespmem:s18], [sflag:$0x1] =	stream.linear.gather [hbm4b:s29+s2], $0x80, $0x38;
	[tilespmem:$0x10200] =	vst v63  }
0x5d: {  	s18 =	sadd.s32 s3, s30;
	s20 =	sand.u32 $0x1FFFFFF0, s31;
	s21 =	spop (v2sf)  }
0x5e: {  	[tilespmem:s19], [sflag:$0x1] =	stream.linear.gather [hbm4b:s18+s2], $0x80, $0x38;
	[tilespmem:$0x10200] =	vst v63  }
0x5f: {  	s22 =	sadd.s32 s3, s20;
	s23 =	sand.u32 $0x1FFFFFF0, s21;
	s24 =	spop (v2sf)  }
0x60: {  	[tilespmem:s16], [sflag:$0x1] =	stream.linear.gather [hbm4b:s22+s2], $0x80, $0x38;
	[tilespmem:$0x10200] =	vst v63  }
0x61: {  	s25 =	sadd.s32 s3, s23;
	s26 =	sand.u32 $0x1FFFFFF0, s24;
	s28 =	spop (v2sf)  }
0x62: {  	[tilespmem:s15], [sflag:$0x1] =	stream.linear.gather [hbm4b:s25+s2], $0x80, $0x38;
	[tilespmem:$0x10200] =	vst v63  }
0x63: {  	s29 =	sadd.s32 s3, s26;
	s30 =	sand.u32 $0x1FFFFFF0, s28;
	s31 =	spop (v2sf)  }
0x64: {  	[tilespmem:s14], [sflag:$0x1] =	stream.linear.gather [hbm4b:s29+s2], $0x80, $0x38;
	[tilespmem:$0x10200] =	vst v63  }
0x65: {  	s16 =	sadd.s32 s3, s30;
	s18 =	sand.u32 $0x1FFFFFF0, s31;
	s19 =	spop (v2sf)  }
0x66: {  	[tilespmem:s13], [sflag:$0x1] =	stream.linear.gather [hbm4b:s16+s2], $0x80, $0x38;
	[tilespmem:$0x10200] =	vst v63  }
0x67: {  	s20 =	sadd.s32 s3, s18;
	s21 =	sand.u32 $0x1FFFFFF0, s19;
	s22 =	spop (v2sf)  }
0x68: {  	[tilespmem:s11], [sflag:$0x1] =	stream.linear.gather [hbm4b:s20+s2], $0x80, $0x38;
	[tilespmem:$0x10200] =	vst v63  }
0x69: {  	s23 =	simm.s32 $0x1100;
	s24 =	sadd.s32 s3, s21;
	s25 =	sand.u32 $0x1FFFFFF0, s22  }
0x6a: {  	[tilespmem:s23], [sflag:$0x1] =	stream.linear.gather [hbm4b:s24+s2], $0x80, $0x38;
	[tilespmem:$0x10200] =	vst v63  }
0x6b: {  	s26 =	simm.s32 $0x1180;
	s28 =	sadd.s32 s3, s25  }
0x6c: {  	[tilespmem:s26], [sflag:$0x1] =	stream.linear.gather [hbm4b:s28+s2], $0x80, $0x38;
	[tilespmem:$0x10200] =	vst v63  }
0x6d: {  	v62 =	vld [tilespmem:s12+$0x0];
	_ =	sdelay $0x4  }
0x6e: {  	v0 =	vshll.u32 v62, $0x4  }
0x6f: {  	(v2sf) =	vpush v0, $0x0  }
0x70: {  	(v2sf) =	vpush v0, $0x1  }
0x71: {  	(v2sf) =	vpush v0, $0x2;
	_ =	sdelay $0x1  }
0x72: {  	(v2sf) =	vpush v0, $0x3;
	_ =	sdelay $0x1  }
0x73: {  	(v2sf) =	vpush v0, $0x4;
	_ =	sdelay $0x1  }
0x74: {  	(v2sf) =	vpush v0, $0x5;
	_ =	sdelay $0x1  }
0x75: {  	(v2sf) =	vpush v0, $0x6  }
0x76: {  	s17 =	simm.s32 $0x1580;
	s18 =	simm.s32 $0x1600  }
0x77: {  	s19 =	simm.s32 $0x1680;
	s15 =	simm.s32 $0x1780;
	s21 =	simm.s32 $0x1480;
	(v2sf) =	vpush v0, $0x7  }
0x78: {  	s22 =	simm.s32 $0x1500;
	s14 =	simm.s32 $0x1800;
	s13 =	simm.s32 $0x1880  }
0x79: {  	s16 =	simm.s32 $0x1700;
	s11 =	simm.s32 $0x1200;
	s20 =	simm.s32 $0x1400;
	(v2sf) =	vpush v0, $0x8  }
0x7a: {  	s23 =	simm.s32 $0x1300;
	s24 =	simm.s32 $0x1380;
	s29 =	spop (v2sf)  }
0x7b: {  	s26 =	simm.s32 $0x1280;
	s25 =	sand.u32 $0x1FFFFFF0, s29;
	s30 =	spop (v2sf);
	(v2sf) =	vpush v0, $0x9  }
0x7c: {  	s25 =	sadd.s32 s3, s25;
	s28 =	sand.u32 $0x1FFFFFF0, s30;
	s31 =	spop (v2sf)  }
0x7d: {  	(v2sf) =	vpush v0, $0xA;
	[tilespmem:s11], [sflag:$0x1] =	stream.linear.gather [hbm4b:s25+s2], $0x80, $0x38;
	[tilespmem:$0x10200] =	vst v63  }
0x7e: {  	s25 =	sadd.s32 s3, s28;
	s30 =	sand.u32 $0x1FFFFFF0, s31;
	s31 =	spop (v2sf)  }
0x7f: {  	(v2sf) =	vpush v0, $0xB;
	[tilespmem:s26], [sflag:$0x1] =	stream.linear.gather [hbm4b:s25+s2], $0x80, $0x38;
	[tilespmem:$0x10200] =	vst v63  }
0x80: {  	s26 =	sadd.s32 s3, s30;
	s30 =	sand.u32 $0x1FFFFFF0, s31;
	s31 =	spop (v2sf)  }
0x81: {  	(v2sf) =	vpush v0, $0xC;
	[tilespmem:s23], [sflag:$0x1] =	stream.linear.gather [hbm4b:s26+s2], $0x80, $0x38;
	[tilespmem:$0x10200] =	vst v63  }
0x82: {  	s29 =	sadd.s32 s3, s30;
	s30 =	sand.u32 $0x1FFFFFF0, s31;
	s31 =	spop (v2sf)  }
0x83: {  	(v2sf) =	vpush v0, $0xD;
	[tilespmem:s24], [sflag:$0x1] =	stream.linear.gather [hbm4b:s29+s2], $0x80, $0x38;
	[tilespmem:$0x10200] =	vst v63  }
0x84: {  	s25 =	sadd.s32 s3, s30;
	s26 =	sand.u32 $0x1FFFFFF0, s31;
	s28 =	spop (v2sf)  }
0x85: {  	(v2sf) =	vpush v0, $0xE;
	[tilespmem:s20], [sflag:$0x1] =	stream.linear.gather [hbm4b:s25+s2], $0x80, $0x38;
	[tilespmem:$0x10200] =	vst v63  }
0x86: {  	s30 =	sand.u32 $0x1FFFFFF0, s28;
	s31 =	spop (v2sf);
	s29 =	sadd.s32 s3, s26  }
0x87: {  	(v2sf) =	vpush v0, $0xF;
	[tilespmem:s21], [sflag:$0x1] =	stream.linear.gather [hbm4b:s29+s2], $0x80, $0x38;
	[tilespmem:$0x10200] =	vst v63  }
0x88: {  	s23 =	sand.u32 $0x1FFFFFF0, s31;
	s24 =	spop (v2sf);
	s21 =	sadd.s32 s3, s30  }
0x89: {  	[tilespmem:s22], [sflag:$0x1] =	stream.linear.gather [hbm4b:s21+s2], $0x80, $0x38;
	[tilespmem:$0x10200] =	vst v63  }
0x8a: {  	s26 =	sand.u32 $0x1FFFFFF0, s24;
	s25 =	sadd.s32 s3, s23;
	s28 =	spop (v2sf)  }
0x8b: {  	[tilespmem:s17], [sflag:$0x1] =	stream.linear.gather [hbm4b:s25+s2], $0x80, $0x38;
	[tilespmem:$0x10200] =	vst v63  }
0x8c: {  	s29 =	sadd.s32 s3, s26;
	s30 =	sand.u32 $0x1FFFFFF0, s28;
	s31 =	spop (v2sf)  }
0x8d: {  	[tilespmem:s18], [sflag:$0x1] =	stream.linear.gather [hbm4b:s29+s2], $0x80, $0x38;
	[tilespmem:$0x10200] =	vst v63  }
0x8e: {  	s22 =	sadd.s32 s3, s30;
	s23 =	sand.u32 $0x1FFFFFF0, s31;
	s24 =	spop (v2sf)  }
0x8f: {  	[tilespmem:s19], [sflag:$0x1] =	stream.linear.gather [hbm4b:s22+s2], $0x80, $0x38;
	[tilespmem:$0x10200] =	vst v63  }
0x90: {  	s25 =	sadd.s32 s3, s23;
	s26 =	sand.u32 $0x1FFFFFF0, s24;
	s28 =	spop (v2sf)  }
0x91: {  	[tilespmem:s16], [sflag:$0x1] =	stream.linear.gather [hbm4b:s25+s2], $0x80, $0x38;
	[tilespmem:$0x10200] =	vst v63  }
0x92: {  	s29 =	sadd.s32 s3, s26;
	s30 =	sand.u32 $0x1FFFFFF0, s28;
	s31 =	spop (v2sf)  }
0x93: {  	[tilespmem:s15], [sflag:$0x1] =	stream.linear.gather [hbm4b:s29+s2], $0x80, $0x38;
	[tilespmem:$0x10200] =	vst v63  }
0x94: {  	s17 =	sand.u32 $0x1FFFFFF0, s31;
	s18 =	spop (v2sf);
	s16 =	sadd.s32 s3, s30  }
0x95: {  	[tilespmem:s14], [sflag:$0x1] =	stream.linear.gather [hbm4b:s16+s2], $0x80, $0x38;
	[tilespmem:$0x10200] =	vst v63  }
0x96: {  	s19 =	sadd.s32 s3, s17;
	s20 =	sand.u32 $0x1FFFFFF0, s18;
	s21 =	spop (v2sf)  }
0x97: {  	[tilespmem:s13], [sflag:$0x1] =	stream.linear.gather [hbm4b:s19+s2], $0x80, $0x38;
	[tilespmem:$0x10200] =	vst v63  }
0x98: {  	s22 =	simm.s32 $0x1900;
	s23 =	sadd.s32 s3, s20;
	s24 =	sand.u32 $0x1FFFFFF0, s21  }
0x99: {  	[tilespmem:s22], [sflag:$0x1] =	stream.linear.gather [hbm4b:s23+s2], $0x80, $0x38;
	[tilespmem:$0x10200] =	vst v63  }
0x9a: {  	s25 =	simm.s32 $0x1980;
	s26 =	sadd.s32 s3, s24  }
0x9b: {  	[tilespmem:s25], [sflag:$0x1] =	stream.linear.gather [hbm4b:s26+s2], $0x80, $0x38;
	[tilespmem:$0x10200] =	vst v63  }
0x9c: {  	v63 =	vld [tilespmem:s12+$0x10];
	_ =	sdelay $0x4  }
0x9d: {  	v0 =	vshll.u32 v63, $0x4  }
0x9e: {  	(v2sf) =	vpush v0, $0x0  }
0x9f: {  	(v2sf) =	vpush v0, $0x1  }
0xa0: {  	(v2sf) =	vpush v0, $0x2;
	_ =	sdelay $0x1  }
0xa1: {  	(v2sf) =	vpush v0, $0x3;
	_ =	sdelay $0x1  }
0xa2: {  	(v2sf) =	vpush v0, $0x4;
	_ =	sdelay $0x1  }
0xa3: {  	(v2sf) =	vpush v0, $0x5;
	_ =	sdelay $0x1  }
0xa4: {  	(v2sf) =	vpush v0, $0x6;
	_ =	sdelay $0x1  }
0xa5: {  	s17 =	simm.s32 $0x1D80;
	s18 =	simm.s32 $0x1E00;
	(v2sf) =	vpush v0, $0x7  }
0xa6: {  	s20 =	simm.s32 $0x1C00;
	s21 =	simm.s32 $0x1C80;
	s15 =	simm.s32 $0x1E80  }
0xa7: {  	s29 =	simm.s32 $0x1A00;
	s14 =	simm.s32 $0x1F00;
	s16 =	simm.s32 $0x1D00;
	(v2sf) =	vpush v0, $0x8  }
0xa8: {  	s19 =	simm.s32 $0x1B80;
	s22 =	simm.s32 $0x1A80;
	s28 =	spop (v2sf)  }
0xa9: {  	s23 =	simm.s32 $0x1B00;
	(v2sf) =	vpush v0, $0x9;
	s24 =	sand.u32 $0x1FFFFFF0, s28;
	s30 =	spop (v2sf)  }
0xaa: {  	(v2sf) =	vpush v0, $0xA;
	s24 =	sadd.s32 s3, s24;
	s26 =	sand.u32 $0x1FFFFFF0, s30;
	s31 =	spop (v2sf)  }
0xab: {  	[tilespmem:s29], [sflag:$0x1] =	stream.linear.gather [hbm4b:s24+s2], $0x80, $0x38;
	[tilespmem:$0x10200] =	vst v63  }
0xac: {  	(v2sf) =	vpush v0, $0xB;
	s29 =	sadd.s32 s3, s26;
	s30 =	sand.u32 $0x1FFFFFF0, s31;
	s31 =	spop (v2sf)  }
0xad: {  	[tilespmem:s22], [sflag:$0x1] =	stream.linear.gather [hbm4b:s29+s2], $0x80, $0x38;
	[tilespmem:$0x10200] =	vst v63  }
0xae: {  	s25 =	sadd.s32 s3, s30;
	s26 =	sand.u32 $0x1FFFFFF0, s31;
	s28 =	spop (v2sf)  }
0xaf: {  	[tilespmem:s23], [sflag:$0x1] =	stream.linear.gather [hbm4b:s25+s2], $0x80, $0x38;
	[tilespmem:$0x10200] =	vst v63  }
0xb0: {  	(v2sf) =	vpush v0, $0xC;
	s29 =	sadd.s32 s3, s26;
	s30 =	sand.u32 $0x1FFFFFF0, s28;
	s31 =	spop (v2sf)  }
0xb1: {  	[tilespmem:s19], [sflag:$0x1] =	stream.linear.gather [hbm4b:s29+s2], $0x80, $0x38;
	[tilespmem:$0x10200] =	vst v63  }
0xb2: {  	(v2sf) =	vpush v0, $0xD;
	s22 =	sadd.s32 s3, s30;
	s24 =	spop (v2sf);
	s23 =	sand.u32 $0x1FFFFFF0, s31  }
0xb3: {  	[tilespmem:s20], [sflag:$0x1] =	stream.linear.gather [hbm4b:s22+s2], $0x80, $0x38;
	[tilespmem:$0x10200] =	vst v63  }
0xb4: {  	(v2sf) =	vpush v0, $0xE;
	s26 =	sand.u32 $0x1FFFFFF0, s24;
	s28 =	spop (v2sf);
	s25 =	sadd.s32 s3, s23  }
0xb5: {  	[tilespmem:s21], [sflag:$0x1] =	stream.linear.gather [hbm4b:s25+s2], $0x80, $0x38;
	[tilespmem:$0x10200] =	vst v63  }
0xb6: {  	s13 =	simm.s32 $0x1F80;
	s31 =	spop (v2sf);
	s29 =	sadd.s32 s3, s26  }
0xb7: {  	[tilespmem:s16], [sflag:$0x1] =	stream.linear.gather [hbm4b:s29+s2], $0x80, $0x38;
	[tilespmem:$0x10200] =	vst v63  }
0xb8: {  	s12 =	simm.s32 $0x2000;
	s30 =	sand.u32 $0x1FFFFFF0, s28;
	s24 =	spop (v2sf);
	(v2sf) =	vpush v0, $0xF  }
0xb9: {  	s23 =	sand.u32 $0x1FFFFFF0, s31;
	s22 =	sadd.s32 s3, s30;
	s28 =	spop (v2sf)  }
0xba: {  	[tilespmem:s17], [sflag:$0x1] =	stream.linear.gather [hbm4b:s22+s2], $0x80, $0x38;
	[tilespmem:$0x10200] =	vst v63  }
0xbb: {  	s25 =	sadd.s32 s3, s23;
	s26 =	sand.u32 $0x1FFFFFF0, s24;
	s31 =	spop (v2sf)  }
0xbc: {  	[tilespmem:s18], [sflag:$0x1] =	stream.linear.gather [hbm4b:s25+s2], $0x80, $0x38;
	[tilespmem:$0x10200] =	vst v63  }
0xbd: {  	s29 =	sadd.s32 s3, s26;
	s30 =	sand.u32 $0x1FFFFFF0, s28;
	s17 =	sand.u32 $0x1FFFFFF0, s31  }
0xbe: {  	[tilespmem:s15], [sflag:$0x1] =	stream.linear.gather [hbm4b:s29+s2], $0x80, $0x38;
	[tilespmem:$0x10200] =	vst v63  }
0xbf: {  	s16 =	sadd.s32 s3, s30;
	s18 =	spop (v2sf);
	s19 =	sadd.s32 s3, s17  }
0xc0: {  	[tilespmem:s14], [sflag:$0x1] =	stream.linear.gather [hbm4b:s16+s2], $0x80, $0x38;
	[tilespmem:$0x10200] =	vst v63  }
0xc1: {  	s25 =	simm.s32 $0x2080;
	s20 =	sand.u32 $0x1FFFFFF0, s18;
	s21 =	spop (v2sf)  }
0xc2: {  	[tilespmem:s13], [sflag:$0x1] =	stream.linear.gather [hbm4b:s19+s2], $0x80, $0x38;
	[tilespmem:$0x10200] =	vst v63  }
0xc3: {  	s22 =	sadd.s32 s3, s20;
	s23 =	sand.u32 $0x1FFFFFF0, s21;
	s24 =	spop (v2sf)  }
0xc4: {  	[tilespmem:s12], [sflag:$0x1] =	stream.linear.gather [hbm4b:s22+s2], $0x80, $0x38;
	[tilespmem:$0x10200] =	vst v63  }
0xc5: {  	s29 =	simm.s32 $0x2100;
	s26 =	sadd.s32 s3, s23;
	s28 =	sand.u32 $0x1FFFFFF0, s24  }
0xc6: {  	[tilespmem:s25], [sflag:$0x1] =	stream.linear.gather [hbm4b:s26+s2], $0x80, $0x38;
	[tilespmem:$0x10200] =	vst v63  }
0xc7: {  	s30 =	sadd.s32 s3, s28;
	s14 =	simm.s32 $0x2180;
	s31 =	spop (v2sf)  }
0xc8: {  	[tilespmem:s29], [sflag:$0x1] =	stream.linear.gather [hbm4b:s30+s2], $0x80, $0x38;
	[tilespmem:$0x10200] =	vst v63  }
0xc9: {  	s13 =	simm.s32 $0x60;
	s12 =	simm.s32 $0x0;
	s15 =	sand.u32 $0x1FFFFFF0, s31  }
.LBB2_2:
0xca: {  	s12 =	sadd.s32 $0x4, s12;
	s15 =	sadd.s32 s3, s15;
	s11 =	sadd.s32 $0x2000, s11  }
0xcb: {  	[tilespmem:s14], [sflag:$0x1] =	stream.linear.gather [hbm4b:s15+s2], $0x80, $0x38;
	[tilespmem:$0x10200] =	vst v63  }
0xcc: {  	p0 =	slt.u32 s12, $0x1C;
	v0 =	vld [tilespmem:s13+$0xFFFFFFE0];
	_ =	sdelay $0x4  }
0xcd: {  	v0 =	vshll.u32 v0, $0x4  }
0xce: {  	(v2sf) =	vpush v0, $0x0  }
0xcf: {  	(v2sf) =	vpush v0, $0x1  }
0xd0: {  	(v2sf) =	vpush v0, $0x2;
	_ =	sdelay $0x1  }
0xd1: {  	(v2sf) =	vpush v0, $0x3;
	_ =	sdelay $0x1  }
0xd2: {  	(v2sf) =	vpush v0, $0x4;
	_ =	sdelay $0x1  }
0xd3: {  	(v2sf) =	vpush v0, $0x5;
	_ =	sdelay $0x1  }
0xd4: {  	(v2sf) =	vpush v0, $0x6  }
0xd5: {  	s15 =	sadd.s32 $0xFFFFF600, s11;
	s14 =	sadd.s32 $0xFFFFF680, s11  }
0xd6: {  	s18 =	sadd.s32 $0xFFFFF480, s11;
	s17 =	sadd.s32 $0xFFFFF500, s11;
	s16 =	sadd.s32 $0xFFFFF580, s11;
	(v2sf) =	vpush v0, $0x7  }
0xd7: {  	s21 =	sadd.s32 $0xFFFFF300, s11;
	s20 =	sadd.s32 $0xFFFFF380, s11;
	s19 =	sadd.s32 $0xFFFFF400, s11  }
0xd8: {  	s22 =	sadd.s32 $0xFFFFF180, s11;
	s23 =	sadd.s32 $0xFFFFF200, s11;
	s24 =	sadd.s32 $0xFFFFF280, s11;
	(v2sf) =	vpush v0, $0x8  }
0xd9: {  	s25 =	sadd.s32 $0xFFFFF080, s11;
	s26 =	sadd.s32 $0xFFFFF100, s11;
	s28 =	spop (v2sf)  }
0xda: {  	s29 =	sadd.s32 $0xFFFFF000, s11;
	s28 =	sand.u32 $0x1FFFFFF0, s28;
	s30 =	spop (v2sf);
	(v2sf) =	vpush v0, $0x9  }
0xdb: {  	s28 =	sadd.s32 s3, s28;
	s30 =	sand.u32 $0x1FFFFFF0, s30;
	s31 =	spop (v2sf)  }
0xdc: {  	[tilespmem:s29], [sflag:$0x1] =	stream.linear.gather [hbm4b:s28+s2], $0x80, $0x38;
	(v2sf) =	vpush v0, $0xA;
	[tilespmem:$0x10200] =	vst v63  }
0xdd: {  	s28 =	sadd.s32 s3, s30;
	s29 =	sand.u32 $0x1FFFFFF0, s31;
	s30 =	spop (v2sf)  }
0xde: {  	[tilespmem:s25], [sflag:$0x1] =	stream.linear.gather [hbm4b:s28+s2], $0x80, $0x38;
	(v2sf) =	vpush v0, $0xB;
	[tilespmem:$0x10200] =	vst v63  }
0xdf: {  	s25 =	sadd.s32 s3, s29;
	s28 =	sand.u32 $0x1FFFFFF0, s30;
	s29 =	spop (v2sf)  }
0xe0: {  	[tilespmem:s26], [sflag:$0x1] =	stream.linear.gather [hbm4b:s25+s2], $0x80, $0x38;
	(v2sf) =	vpush v0, $0xC;
	[tilespmem:$0x10200] =	vst v63  }
0xe1: {  	s25 =	sadd.s32 s3, s28;
	s26 =	sand.u32 $0x1FFFFFF0, s29;
	s28 =	spop (v2sf)  }
0xe2: {  	[tilespmem:s22], [sflag:$0x1] =	stream.linear.gather [hbm4b:s25+s2], $0x80, $0x38;
	(v2sf) =	vpush v0, $0xD;
	[tilespmem:$0x10200] =	vst v63  }
0xe3: {  	s22 =	sadd.s32 s3, s26;
	s25 =	sand.u32 $0x1FFFFFF0, s28;
	s26 =	spop (v2sf)  }
0xe4: {  	[tilespmem:s23], [sflag:$0x1] =	stream.linear.gather [hbm4b:s22+s2], $0x80, $0x38;
	(v2sf) =	vpush v0, $0xE;
	[tilespmem:$0x10200] =	vst v63  }
0xe5: {  	s22 =	sadd.s32 s3, s25;
	s23 =	sand.u32 $0x1FFFFFF0, s26;
	s25 =	spop (v2sf)  }
0xe6: {  	[tilespmem:s24], [sflag:$0x1] =	stream.linear.gather [hbm4b:s22+s2], $0x80, $0x38;
	(v2sf) =	vpush v0, $0xF;
	[tilespmem:$0x10200] =	vst v63  }
0xe7: {  	s22 =	sadd.s32 s3, s23;
	s23 =	sand.u32 $0x1FFFFFF0, s25;
	s24 =	spop (v2sf)  }
0xe8: {  	[tilespmem:s21], [sflag:$0x1] =	stream.linear.gather [hbm4b:s22+s2], $0x80, $0x38;
	[tilespmem:$0x10200] =	vst v63  }
0xe9: {  	s21 =	sadd.s32 s3, s23;
	s22 =	sand.u32 $0x1FFFFFF0, s24;
	s23 =	spop (v2sf)  }
0xea: {  	[tilespmem:s20], [sflag:$0x1] =	stream.linear.gather [hbm4b:s21+s2], $0x80, $0x38;
	[tilespmem:$0x10200] =	vst v63  }
0xeb: {  	s20 =	sadd.s32 s3, s22;
	s21 =	sand.u32 $0x1FFFFFF0, s23;
	s22 =	spop (v2sf)  }
0xec: {  	[tilespmem:s19], [sflag:$0x1] =	stream.linear.gather [hbm4b:s20+s2], $0x80, $0x38;
	[tilespmem:$0x10200] =	vst v63  }
0xed: {  	s19 =	sadd.s32 s3, s21;
	s20 =	sand.u32 $0x1FFFFFF0, s22;
	s21 =	spop (v2sf)  }
0xee: {  	[tilespmem:s18], [sflag:$0x1] =	stream.linear.gather [hbm4b:s19+s2], $0x80, $0x38;
	[tilespmem:$0x10200] =	vst v63  }
0xef: {  	s18 =	sadd.s32 s3, s20;
	s19 =	sand.u32 $0x1FFFFFF0, s21;
	s20 =	spop (v2sf)  }
0xf0: {  	[tilespmem:s17], [sflag:$0x1] =	stream.linear.gather [hbm4b:s18+s2], $0x80, $0x38;
	[tilespmem:$0x10200] =	vst v63  }
0xf1: {  	s17 =	sadd.s32 s3, s19;
	s18 =	sand.u32 $0x1FFFFFF0, s20;
	s19 =	spop (v2sf)  }
0xf2: {  	[tilespmem:s16], [sflag:$0x1] =	stream.linear.gather [hbm4b:s17+s2], $0x80, $0x38;
	[tilespmem:$0x10200] =	vst v63  }
0xf3: {  	s16 =	sadd.s32 s3, s18;
	s17 =	sand.u32 $0x1FFFFFF0, s19;
	s18 =	spop (v2sf)  }
0xf4: {  	[tilespmem:s15], [sflag:$0x1] =	stream.linear.gather [hbm4b:s16+s2], $0x80, $0x38;
	[tilespmem:$0x10200] =	vst v63  }
0xf5: {  	s15 =	sadd.s32 s3, s17;
	s16 =	sand.u32 $0x1FFFFFF0, s18;
	s17 =	spop (v2sf)  }
0xf6: {  	[tilespmem:s14], [sflag:$0x1] =	stream.linear.gather [hbm4b:s15+s2], $0x80, $0x38;
	[tilespmem:$0x10200] =	vst v63  }
0xf7: {  	s14 =	sadd.s32 $0xFFFFF700, s11;
	s15 =	sadd.s32 s3, s16;
	s16 =	sand.u32 $0x1FFFFFF0, s17  }
0xf8: {  	[tilespmem:s14], [sflag:$0x1] =	stream.linear.gather [hbm4b:s15+s2], $0x80, $0x38;
	[tilespmem:$0x10200] =	vst v63  }
0xf9: {  	s14 =	sadd.s32 $0xFFFFF780, s11;
	s15 =	sadd.s32 s3, s16  }
0xfa: {  	[tilespmem:s14], [sflag:$0x1] =	stream.linear.gather [hbm4b:s15+s2], $0x80, $0x38;
	[tilespmem:$0x10200] =	vst v63  }
0xfb: {  	v0 =	vld [tilespmem:s13+$0xFFFFFFF0];
	_ =	sdelay $0x4  }
0xfc: {  	v0 =	vshll.u32 v0, $0x4  }
0xfd: {  	(v2sf) =	vpush v0, $0x0  }
0xfe: {  	(v2sf) =	vpush v0, $0x1  }
0xff: {  	(v2sf) =	vpush v0, $0x2;
	_ =	sdelay $0x1  }
0x100: {  	(v2sf) =	vpush v0, $0x3;
	_ =	sdelay $0x1  }
0x101: {  	(v2sf) =	vpush v0, $0x4;
	_ =	sdelay $0x1  }
0x102: {  	(v2sf) =	vpush v0, $0x5;
	_ =	sdelay $0x1  }
0x103: {  	(v2sf) =	vpush v0, $0x6  }
0x104: {  	s15 =	sadd.s32 $0xFFFFFE00, s11;
	s14 =	sadd.s32 $0xFFFFFE80, s11  }
0x105: {  	s18 =	sadd.s32 $0xFFFFFC80, s11;
	s17 =	sadd.s32 $0xFFFFFD00, s11;
	s16 =	sadd.s32 $0xFFFFFD80, s11;
	(v2sf) =	vpush v0, $0x7  }
0x106: {  	s21 =	sadd.s32 $0xFFFFFB00, s11;
	s20 =	sadd.s32 $0xFFFFFB80, s11;
	s19 =	sadd.s32 $0xFFFFFC00, s11  }
0x107: {  	s24 =	sadd.s32 $0xFFFFFA80, s11;
	s23 =	sadd.s32 $0xFFFFFA00, s11;
	s22 =	sadd.s32 $0xFFFFF980, s11;
	(v2sf) =	vpush v0, $0x8  }
0x108: {  	s26 =	sadd.s32 $0xFFFFF900, s11;
	s25 =	sadd.s32 $0xFFFFF880, s11;
	s28 =	spop (v2sf)  }
0x109: {  	s29 =	sadd.s32 $0xFFFFF800, s11;
	s28 =	sand.u32 $0x1FFFFFF0, s28;
	s30 =	spop (v2sf);
	(v2sf) =	vpush v0, $0x9  }
0x10a: {  	s28 =	sadd.s32 s3, s28;
	s30 =	sand.u32 $0x1FFFFFF0, s30;
	s31 =	spop (v2sf)  }
0x10b: {  	[tilespmem:s29], [sflag:$0x1] =	stream.linear.gather [hbm4b:s28+s2], $0x80, $0x38;
	(v2sf) =	vpush v0, $0xA;
	[tilespmem:$0x10200] =	vst v63  }
0x10c: {  	s28 =	sadd.s32 s3, s30;
	s29 =	sand.u32 $0x1FFFFFF0, s31;
	s30 =	spop (v2sf)  }
0x10d: {  	[tilespmem:s25], [sflag:$0x1] =	stream.linear.gather [hbm4b:s28+s2], $0x80, $0x38;
	(v2sf) =	vpush v0, $0xB;
	[tilespmem:$0x10200] =	vst v63  }
0x10e: {  	s25 =	sadd.s32 s3, s29;
	s28 =	sand.u32 $0x1FFFFFF0, s30;
	s29 =	spop (v2sf)  }
0x10f: {  	[tilespmem:s26], [sflag:$0x1] =	stream.linear.gather [hbm4b:s25+s2], $0x80, $0x38;
	(v2sf) =	vpush v0, $0xC;
	[tilespmem:$0x10200] =	vst v63  }
0x110: {  	s25 =	sadd.s32 s3, s28;
	s26 =	sand.u32 $0x1FFFFFF0, s29;
	s28 =	spop (v2sf)  }
0x111: {  	[tilespmem:s22], [sflag:$0x1] =	stream.linear.gather [hbm4b:s25+s2], $0x80, $0x38;
	(v2sf) =	vpush v0, $0xD;
	[tilespmem:$0x10200] =	vst v63  }
0x112: {  	s22 =	sadd.s32 s3, s26;
	s25 =	sand.u32 $0x1FFFFFF0, s28;
	s26 =	spop (v2sf)  }
0x113: {  	[tilespmem:s23], [sflag:$0x1] =	stream.linear.gather [hbm4b:s22+s2], $0x80, $0x38;
	(v2sf) =	vpush v0, $0xE;
	[tilespmem:$0x10200] =	vst v63  }
0x114: {  	s22 =	sadd.s32 s3, s25;
	s23 =	sand.u32 $0x1FFFFFF0, s26;
	s25 =	spop (v2sf)  }
0x115: {  	[tilespmem:s24], [sflag:$0x1] =	stream.linear.gather [hbm4b:s22+s2], $0x80, $0x38;
	(v2sf) =	vpush v0, $0xF;
	[tilespmem:$0x10200] =	vst v63  }
0x116: {  	s22 =	sadd.s32 s3, s23;
	s23 =	sand.u32 $0x1FFFFFF0, s25;
	s24 =	spop (v2sf)  }
0x117: {  	[tilespmem:s21], [sflag:$0x1] =	stream.linear.gather [hbm4b:s22+s2], $0x80, $0x38;
	[tilespmem:$0x10200] =	vst v63  }
0x118: {  	s21 =	sadd.s32 s3, s23;
	s22 =	sand.u32 $0x1FFFFFF0, s24;
	s23 =	spop (v2sf)  }
0x119: {  	[tilespmem:s20], [sflag:$0x1] =	stream.linear.gather [hbm4b:s21+s2], $0x80, $0x38;
	[tilespmem:$0x10200] =	vst v63  }
0x11a: {  	s20 =	sadd.s32 s3, s22;
	s21 =	sand.u32 $0x1FFFFFF0, s23;
	s22 =	spop (v2sf)  }
0x11b: {  	[tilespmem:s19], [sflag:$0x1] =	stream.linear.gather [hbm4b:s20+s2], $0x80, $0x38;
	[tilespmem:$0x10200] =	vst v63  }
0x11c: {  	s19 =	sadd.s32 s3, s21;
	s20 =	sand.u32 $0x1FFFFFF0, s22;
	s21 =	spop (v2sf)  }
0x11d: {  	[tilespmem:s18], [sflag:$0x1] =	stream.linear.gather [hbm4b:s19+s2], $0x80, $0x38;
	[tilespmem:$0x10200] =	vst v63  }
0x11e: {  	s18 =	sadd.s32 s3, s20;
	s19 =	sand.u32 $0x1FFFFFF0, s21;
	s20 =	spop (v2sf)  }
0x11f: {  	[tilespmem:s17], [sflag:$0x1] =	stream.linear.gather [hbm4b:s18+s2], $0x80, $0x38;
	[tilespmem:$0x10200] =	vst v63  }
0x120: {  	s17 =	sadd.s32 s3, s19;
	s18 =	sand.u32 $0x1FFFFFF0, s20;
	s19 =	spop (v2sf)  }
0x121: {  	[tilespmem:s16], [sflag:$0x1] =	stream.linear.gather [hbm4b:s17+s2], $0x80, $0x38;
	[tilespmem:$0x10200] =	vst v63  }
0x122: {  	s16 =	sadd.s32 s3, s18;
	s17 =	sand.u32 $0x1FFFFFF0, s19;
	s18 =	spop (v2sf)  }
0x123: {  	[tilespmem:s15], [sflag:$0x1] =	stream.linear.gather [hbm4b:s16+s2], $0x80, $0x38;
	[tilespmem:$0x10200] =	vst v63  }
0x124: {  	s15 =	sadd.s32 s3, s17;
	s16 =	sand.u32 $0x1FFFFFF0, s18;
	s17 =	spop (v2sf)  }
0x125: {  	[tilespmem:s14], [sflag:$0x1] =	stream.linear.gather [hbm4b:s15+s2], $0x80, $0x38;
	[tilespmem:$0x10200] =	vst v63  }
0x126: {  	s14 =	sadd.s32 $0xFFFFFF00, s11;
	s15 =	sadd.s32 s3, s16;
	s16 =	sand.u32 $0x1FFFFFF0, s17  }
0x127: {  	[tilespmem:s14], [sflag:$0x1] =	stream.linear.gather [hbm4b:s15+s2], $0x80, $0x38;
	[tilespmem:$0x10200] =	vst v63  }
0x128: {  	s14 =	sadd.s32 $0xFFFFFF80, s11;
	s15 =	sadd.s32 s3, s16  }
0x129: {  	[tilespmem:s14], [sflag:$0x1] =	stream.linear.gather [hbm4b:s15+s2], $0x80, $0x38;
	[tilespmem:$0x10200] =	vst v63  }
0x12a: {  	v0 =	vld [tilespmem:s13+$0x0];
	_ =	sdelay $0x4  }
0x12b: {  	v0 =	vshll.u32 v0, $0x4  }
0x12c: {  	(v2sf) =	vpush v0, $0x0  }
0x12d: {  	(v2sf) =	vpush v0, $0x1  }
0x12e: {  	(v2sf) =	vpush v0, $0x2;
	_ =	sdelay $0x1  }
0x12f: {  	(v2sf) =	vpush v0, $0x3;
	_ =	sdelay $0x1  }
0x130: {  	(v2sf) =	vpush v0, $0x4;
	_ =	sdelay $0x1  }
0x131: {  	(v2sf) =	vpush v0, $0x5;
	_ =	sdelay $0x1  }
0x132: {  	(v2sf) =	vpush v0, $0x6  }
0x133: {  	s14 =	sadd.s32 $0x680, s11  }
0x134: {  	s17 =	sadd.s32 $0x500, s11;
	s16 =	sadd.s32 $0x580, s11;
	s15 =	sadd.s32 $0x600, s11;
	(v2sf) =	vpush v0, $0x7  }
0x135: {  	s20 =	sadd.s32 $0x380, s11;
	s19 =	sadd.s32 $0x400, s11;
	s18 =	sadd.s32 $0x480, s11  }
0x136: {  	s23 =	sadd.s32 $0x300, s11;
	s22 =	sadd.s32 $0x280, s11;
	s21 =	sadd.s32 $0x200, s11;
	(v2sf) =	vpush v0, $0x8  }
0x137: {  	s25 =	sadd.s32 $0x180, s11;
	s24 =	sadd.s32 $0x100, s11;
	s26 =	spop (v2sf)  }
0x138: {  	s28 =	sadd.s32 $0x80, s11;
	s26 =	sand.u32 $0x1FFFFFF0, s26;
	s29 =	spop (v2sf);
	(v2sf) =	vpush v0, $0x9  }
0x139: {  	s26 =	sadd.s32 s3, s26;
	s29 =	sand.u32 $0x1FFFFFF0, s29;
	s30 =	spop (v2sf)  }
0x13a: {  	[tilespmem:s11], [sflag:$0x1] =	stream.linear.gather [hbm4b:s26+s2], $0x80, $0x38;
	(v2sf) =	vpush v0, $0xA;
	[tilespmem:$0x10200] =	vst v63  }
0x13b: {  	s26 =	sadd.s32 s3, s29;
	s29 =	sand.u32 $0x1FFFFFF0, s30;
	s30 =	spop (v2sf)  }
0x13c: {  	[tilespmem:s28], [sflag:$0x1] =	stream.linear.gather [hbm4b:s26+s2], $0x80, $0x38;
	(v2sf) =	vpush v0, $0xB;
	[tilespmem:$0x10200] =	vst v63  }
0x13d: {  	s26 =	sadd.s32 s3, s29;
	s28 =	sand.u32 $0x1FFFFFF0, s30;
	s29 =	spop (v2sf)  }
0x13e: {  	[tilespmem:s24], [sflag:$0x1] =	stream.linear.gather [hbm4b:s26+s2], $0x80, $0x38;
	(v2sf) =	vpush v0, $0xC;
	[tilespmem:$0x10200] =	vst v63  }
0x13f: {  	s24 =	sadd.s32 s3, s28;
	s26 =	sand.u32 $0x1FFFFFF0, s29;
	s28 =	spop (v2sf)  }
0x140: {  	[tilespmem:s25], [sflag:$0x1] =	stream.linear.gather [hbm4b:s24+s2], $0x80, $0x38;
	(v2sf) =	vpush v0, $0xD;
	[tilespmem:$0x10200] =	vst v63  }
0x141: {  	s24 =	sadd.s32 s3, s26;
	s25 =	sand.u32 $0x1FFFFFF0, s28;
	s26 =	spop (v2sf)  }
0x142: {  	[tilespmem:s21], [sflag:$0x1] =	stream.linear.gather [hbm4b:s24+s2], $0x80, $0x38;
	(v2sf) =	vpush v0, $0xE;
	[tilespmem:$0x10200] =	vst v63  }
0x143: {  	s21 =	sadd.s32 s3, s25;
	s24 =	sand.u32 $0x1FFFFFF0, s26;
	s25 =	spop (v2sf)  }
0x144: {  	[tilespmem:s22], [sflag:$0x1] =	stream.linear.gather [hbm4b:s21+s2], $0x80, $0x38;
	(v2sf) =	vpush v0, $0xF;
	[tilespmem:$0x10200] =	vst v63  }
0x145: {  	s21 =	sadd.s32 s3, s24;
	s22 =	sand.u32 $0x1FFFFFF0, s25;
	s24 =	spop (v2sf)  }
0x146: {  	[tilespmem:s23], [sflag:$0x1] =	stream.linear.gather [hbm4b:s21+s2], $0x80, $0x38;
	[tilespmem:$0x10200] =	vst v63  }
0x147: {  	s21 =	sadd.s32 s3, s22;
	s22 =	sand.u32 $0x1FFFFFF0, s24;
	s23 =	spop (v2sf)  }
0x148: {  	[tilespmem:s20], [sflag:$0x1] =	stream.linear.gather [hbm4b:s21+s2], $0x80, $0x38;
	[tilespmem:$0x10200] =	vst v63  }
0x149: {  	s20 =	sadd.s32 s3, s22;
	s21 =	sand.u32 $0x1FFFFFF0, s23;
	s22 =	spop (v2sf)  }
0x14a: {  	[tilespmem:s19], [sflag:$0x1] =	stream.linear.gather [hbm4b:s20+s2], $0x80, $0x38;
	[tilespmem:$0x10200] =	vst v63  }
0x14b: {  	s19 =	sadd.s32 s3, s21;
	s20 =	sand.u32 $0x1FFFFFF0, s22;
	s21 =	spop (v2sf)  }
0x14c: {  	[tilespmem:s18], [sflag:$0x1] =	stream.linear.gather [hbm4b:s19+s2], $0x80, $0x38;
	[tilespmem:$0x10200] =	vst v63  }
0x14d: {  	s18 =	sadd.s32 s3, s20;
	s19 =	sand.u32 $0x1FFFFFF0, s21;
	s20 =	spop (v2sf)  }
0x14e: {  	[tilespmem:s17], [sflag:$0x1] =	stream.linear.gather [hbm4b:s18+s2], $0x80, $0x38;
	[tilespmem:$0x10200] =	vst v63  }
0x14f: {  	s17 =	sadd.s32 s3, s19;
	s18 =	sand.u32 $0x1FFFFFF0, s20;
	s19 =	spop (v2sf)  }
0x150: {  	[tilespmem:s16], [sflag:$0x1] =	stream.linear.gather [hbm4b:s17+s2], $0x80, $0x38;
	[tilespmem:$0x10200] =	vst v63  }
0x151: {  	s16 =	sadd.s32 s3, s18;
	s17 =	sand.u32 $0x1FFFFFF0, s19;
	s18 =	spop (v2sf)  }
0x152: {  	[tilespmem:s15], [sflag:$0x1] =	stream.linear.gather [hbm4b:s16+s2], $0x80, $0x38;
	[tilespmem:$0x10200] =	vst v63  }
0x153: {  	s15 =	sadd.s32 s3, s17;
	s16 =	sand.u32 $0x1FFFFFF0, s18;
	s17 =	spop (v2sf)  }
0x154: {  	[tilespmem:s14], [sflag:$0x1] =	stream.linear.gather [hbm4b:s15+s2], $0x80, $0x38;
	[tilespmem:$0x10200] =	vst v63  }
0x155: {  	s14 =	sadd.s32 $0x700, s11;
	s15 =	sadd.s32 s3, s16;
	s16 =	sand.u32 $0x1FFFFFF0, s17  }
0x156: {  	[tilespmem:s14], [sflag:$0x1] =	stream.linear.gather [hbm4b:s15+s2], $0x80, $0x38;
	[tilespmem:$0x10200] =	vst v63  }
0x157: {  	s14 =	sadd.s32 $0x780, s11;
	s15 =	sadd.s32 s3, s16  }
0x158: {  	[tilespmem:s14], [sflag:$0x1] =	stream.linear.gather [hbm4b:s15+s2], $0x80, $0x38;
	[tilespmem:$0x10200] =	vst v63  }
0x159: {  	v0 =	vld [tilespmem:s13+$0x10];
	_ =	sdelay $0x4  }
0x15a: {  	v0 =	vshll.u32 v0, $0x4  }
0x15b: {  	(v2sf) =	vpush v0, $0x0  }
0x15c: {  	(v2sf) =	vpush v0, $0x1  }
0x15d: {  	(v2sf) =	vpush v0, $0x2;
	_ =	sdelay $0x1  }
0x15e: {  	(v2sf) =	vpush v0, $0x3;
	_ =	sdelay $0x1  }
0x15f: {  	(v2sf) =	vpush v0, $0x4;
	_ =	sdelay $0x1  }
0x160: {  	(v2sf) =	vpush v0, $0x5;
	_ =	sdelay $0x1  }
0x161: {  	(v2sf) =	vpush v0, $0x6  }
0x162: {  	s15 =	sadd.s32 $0xE00, s11;
	s14 =	sadd.s32 $0xE80, s11  }
0x163: {  	s18 =	sadd.s32 $0xC80, s11;
	s17 =	sadd.s32 $0xD00, s11;
	s16 =	sadd.s32 $0xD80, s11;
	(v2sf) =	vpush v0, $0x7  }
0x164: {  	s21 =	sadd.s32 $0xB00, s11;
	s20 =	sadd.s32 $0xB80, s11;
	s19 =	sadd.s32 $0xC00, s11  }
0x165: {  	s24 =	sadd.s32 $0xA80, s11;
	s23 =	sadd.s32 $0xA00, s11;
	s22 =	sadd.s32 $0x980, s11;
	(v2sf) =	vpush v0, $0x8  }
0x166: {  	s26 =	sadd.s32 $0x900, s11;
	s25 =	sadd.s32 $0x880, s11;
	s28 =	spop (v2sf)  }
0x167: {  	s29 =	sadd.s32 $0x800, s11;
	s28 =	sand.u32 $0x1FFFFFF0, s28;
	s30 =	spop (v2sf);
	(v2sf) =	vpush v0, $0x9  }
0x168: {  	s28 =	sadd.s32 s3, s28;
	s30 =	sand.u32 $0x1FFFFFF0, s30;
	s31 =	spop (v2sf)  }
0x169: {  	[tilespmem:s29], [sflag:$0x1] =	stream.linear.gather [hbm4b:s28+s2], $0x80, $0x38;
	(v2sf) =	vpush v0, $0xA;
	[tilespmem:$0x10200] =	vst v63  }
0x16a: {  	s28 =	sadd.s32 s3, s30;
	s29 =	sand.u32 $0x1FFFFFF0, s31;
	s30 =	spop (v2sf)  }
0x16b: {  	[tilespmem:s25], [sflag:$0x1] =	stream.linear.gather [hbm4b:s28+s2], $0x80, $0x38;
	(v2sf) =	vpush v0, $0xB;
	[tilespmem:$0x10200] =	vst v63  }
0x16c: {  	s25 =	sadd.s32 s3, s29;
	s28 =	sand.u32 $0x1FFFFFF0, s30;
	s29 =	spop (v2sf)  }
0x16d: {  	[tilespmem:s26], [sflag:$0x1] =	stream.linear.gather [hbm4b:s25+s2], $0x80, $0x38;
	(v2sf) =	vpush v0, $0xC;
	[tilespmem:$0x10200] =	vst v63  }
0x16e: {  	s25 =	sadd.s32 s3, s28;
	s26 =	sand.u32 $0x1FFFFFF0, s29;
	s28 =	spop (v2sf)  }
0x16f: {  	[tilespmem:s22], [sflag:$0x1] =	stream.linear.gather [hbm4b:s25+s2], $0x80, $0x38;
	(v2sf) =	vpush v0, $0xD;
	[tilespmem:$0x10200] =	vst v63  }
0x170: {  	s22 =	sadd.s32 s3, s26;
	s25 =	sand.u32 $0x1FFFFFF0, s28;
	s26 =	spop (v2sf)  }
0x171: {  	[tilespmem:s23], [sflag:$0x1] =	stream.linear.gather [hbm4b:s22+s2], $0x80, $0x38;
	(v2sf) =	vpush v0, $0xE;
	[tilespmem:$0x10200] =	vst v63  }
0x172: {  	s22 =	sadd.s32 s3, s25;
	s23 =	sand.u32 $0x1FFFFFF0, s26;
	s25 =	spop (v2sf)  }
0x173: {  	[tilespmem:s24], [sflag:$0x1] =	stream.linear.gather [hbm4b:s22+s2], $0x80, $0x38;
	[tilespmem:$0x10200] =	vst v63  }
0x174: {  	s22 =	sadd.s32 s3, s23;
	s23 =	sand.u32 $0x1FFFFFF0, s25;
	s24 =	spop (v2sf)  }
0x175: {  	[tilespmem:s21], [sflag:$0x1] =	stream.linear.gather [hbm4b:s22+s2], $0x80, $0x38;
	(v2sf) =	vpush v0, $0xF;
	[tilespmem:$0x10200] =	vst v63  }
0x176: {  	s21 =	sadd.s32 s3, s23;
	s22 =	sand.u32 $0x1FFFFFF0, s24;
	s23 =	spop (v2sf)  }
0x177: {  	[tilespmem:s20], [sflag:$0x1] =	stream.linear.gather [hbm4b:s21+s2], $0x80, $0x38;
	[tilespmem:$0x10200] =	vst v63  }
0x178: {  	s20 =	sadd.s32 s3, s22;
	s21 =	sand.u32 $0x1FFFFFF0, s23;
	s22 =	spop (v2sf)  }
0x179: {  	[tilespmem:s19], [sflag:$0x1] =	stream.linear.gather [hbm4b:s20+s2], $0x80, $0x38;
	[tilespmem:$0x10200] =	vst v63  }
0x17a: {  	s19 =	sadd.s32 s3, s21;
	s20 =	sand.u32 $0x1FFFFFF0, s22;
	s21 =	spop (v2sf)  }
0x17b: {  	[tilespmem:s18], [sflag:$0x1] =	stream.linear.gather [hbm4b:s19+s2], $0x80, $0x38;
	[tilespmem:$0x10200] =	vst v63  }
0x17c: {  	s18 =	sadd.s32 s3, s20;
	s19 =	sand.u32 $0x1FFFFFF0, s21;
	s20 =	spop (v2sf)  }
0x17d: {  	[tilespmem:s17], [sflag:$0x1] =	stream.linear.gather [hbm4b:s18+s2], $0x80, $0x38;
	[tilespmem:$0x10200] =	vst v63  }
0x17e: {  	s17 =	sadd.s32 s3, s19;
	s18 =	sand.u32 $0x1FFFFFF0, s20;
	s19 =	spop (v2sf)  }
0x17f: {  	[tilespmem:s16], [sflag:$0x1] =	stream.linear.gather [hbm4b:s17+s2], $0x80, $0x38;
	[tilespmem:$0x10200] =	vst v63  }
0x180: {  	s16 =	sadd.s32 s3, s18;
	s17 =	sand.u32 $0x1FFFFFF0, s19;
	s18 =	spop (v2sf)  }
0x181: {  	[tilespmem:s15], [sflag:$0x1] =	stream.linear.gather [hbm4b:s16+s2], $0x80, $0x38;
	[tilespmem:$0x10200] =	vst v63  }
.Ltmp0:
0x182: {  	s15 =	sadd.s32 s3, s17;
	s16 =	sand.u32 $0x1FFFFFF0, s18;
	(pc) =	sbr.rel @p0 .LBB2_2-.Ltmp0, $4  }
0x183: {  	[tilespmem:s14], [sflag:$0x1] =	stream.linear.gather [hbm4b:s15+s2], $0x80, $0x38;
	[tilespmem:$0x10200] =	vst v63  }
0x184: {  	s14 =	sadd.s32 $0xF00, s11;
	s15 =	sadd.s32 s3, s16;
	s16 =	spop (v2sf)  }
0x185: {  	[tilespmem:s14], [sflag:$0x1] =	stream.linear.gather [hbm4b:s15+s2], $0x80, $0x38;
	[tilespmem:$0x10200] =	vst v63  }
0x186: {  	s13 =	sadd.s32 $0x40, s13;
	s14 =	sadd.s32 $0xF80, s11;
	s15 =	sand.u32 $0x1FFFFFF0, s16  }
0x187: {  	s11 =	sadd.s32 s3, s15  }
0x188: {  	[tilespmem:s14], [sflag:$0x1] =	stream.linear.gather [hbm4b:s11+s2], $0x80, $0x38;
	[tilespmem:$0x10200] =	vst v63  }
0x189: {  	s10 =	sadd.s32 $0x1, s10;
	_ =	swait.ge [sflag:s8], $0x10000  }
0x18a: {  	p0 =	sne.s32 s10, s6;
	[sflag:s8] =	ssyncset.done $0x0  }
.Ltmp1:
0x18b: {  	[sflag:s8] =	ssyncadd.s32 $0xFFFF0000;
	(pc) =	sbr.rel @p0 .LBB2_1-.Ltmp1, $4  }
0x18c: {  	[hbm4b:s5+s2] =	stream.linear.scatter [tilespmem:s9], [sflag:$0x2], $0x10000, $0x38;
	[tilespmem:$0x10200] =	vst v63  }
0x18d: {  	_ =	swait.ge [sflag:s7], $0x10000  }
0x18e: {  	[sflag:s7] =	ssyncset.done $0x0  }
0x18f: {  	[sflag:s7] =	ssyncadd.s32 $0xFFFF0000  }
0x190: {  	_ =	sfence.sel $0x180000  }
0x191: {  	[bflag:$0x0] =	sbarrier.arrive $0xFFFF  }
0x192: {  	p0 =	sne.s32 s1, $0x0;
	_ =	strace $0x90000047  }
0x193: {  	s0 =	sadd.s32 @!p0 $0x100000, s0;
	[bflag:$0x2] =	sbarrier.arrive $0xFFFF  }
0x194: {  	[sflag:s0] =	ssyncadd.tile.s32 @!p0 $0x1;
	_ =	shalt  }
.Lfunc_end2:
_tile_overlayer_lowered:
.L_overlay_start_2:
0x195: {  	(tag) =	ssettag $0x2  }
0x196: {  	s0 =	rddreg [dreg:$0x0];
	s2 =	stileid.u32  }
0x197: {  	s1 =	rddreg [dreg:$0x1];
	p0 =	sne.s32 s2, $0x0  }
0x198: {  	s3 =	rddreg [dreg:$0x2];
	[bflag:$0x3] =	sbarrier.arrive $0xFFFF;
	s2 =	simm.s32 @!p0 $0x1C02  }
0x199: {  	[timem:s3], [sflag:s2] =	dma.local @!p0 [hbm:s0], s1  }
0x19a: {  	s0 =	simm.s32 @!p0 $0x2  }
0x19b: {  	_ =	swait.ge @!p0 [sflag:s0], s1  }
0x19c: {  	s1 =	ssub.s32 @!p0 $0x0, s1;
	[sflag:s0] =	ssyncset.done @!p0 $0x0  }
0x19d: {  	[sflag:s0] =	ssyncadd.s32 @!p0 s1  }
0x19e: {  	[bflag:$0x3] =	sbarrier.arrive $0xFFFF  }
0x19f: {  	_ =	shalt  }

</sc_bundles>
